<compile_context>
chip_gen: v7x
topology: tpu7x:2x2x1
jax: 0.10.2.dev20260603
libtpu: 0.0.44.dev20260713+nightly
codegen_flags: <defaults>
</compile_context>

<pallas_src>
import jax
import jax.numpy as jnp
from jax import lax
from jax.experimental import pallas as pl
from jax.experimental.pallas import tpu as pltpu
from jax.experimental.pallas import tpu_sc as plsc

DELTA = 0.1
SAMPLE_SIZE = 2500
B, H, W = 16, 512, 512

PAD = 2560
NT = PAD // 16
UNROLL = 1
CHUNK_ROWS = 64
HALF_ROWS = H // 2
NCH = HALF_ROWS // CHUNK_ROWS
NBUF = 3


def _sc_body(dp2, dg2, i0_hbm, i1_hbm, out,
             b0, b1, b2, i0_v, i1_v, vp0, vp1, vg0, vg1,
             s0, s1, s2, s_out):
    s = lax.axis_index("s")
    c = lax.axis_index("c")

    bufs = [b0, b1, b2]
    sems = [s0, s1, s2]
    steps = []
    for k in range(2 * NCH):
        a, q = k // NCH, k % NCH
        src = dp2 if a == 0 else dg2
        dst0, dst1 = (vp0, vp1) if a == 0 else (vg0, vg1)
        steps.append((src, q, dst0, dst1))

    def fire(k):
        src, q, _, _ = steps[k]
        row0 = H * s + HALF_ROWS * c + CHUNK_ROWS * q
        return pltpu.async_copy(
            src.at[pl.ds(row0, CHUNK_ROWS), :], bufs[k % NBUF], sems[k % NBUF])

    nsteps = 2 * NCH
    pending = [fire(0), fire(1)]
    pltpu.sync_copy(i0_hbm, i0_v)
    pltpu.sync_copy(i1_hbm, i1_v)
    for k in range(nsteps):
        _, q, dst0, dst1 = steps[k]
        buf = bufs[k % NBUF]
        pending[k].wait()
        if k + 2 < nsteps:
            pending.append(fire(k + 2))
        base = HALF_ROWS * c + CHUNK_ROWS * q

        def chunk_body(t, carry):
            for u in range(UNROLL):
                sl = pl.ds((t * UNROLL + u) * 16, 16)
                for iv, vv in ((i0_v, dst0), (i1_v, dst1)):
                    idx = iv[sl]
                    r_local = (idx >> 9) - base
                    m = plsc.bitcast(r_local, jnp.uint32) < CHUNK_ROWS
                    lr = jnp.bitwise_and(r_local, CHUNK_ROWS - 1)
                    lc = jnp.bitwise_and(idx, W - 1)
                    v = plsc.load_gather(buf, [lr, lc], mask=m)
                    vv[sl] = jnp.where(m, v, vv[sl])
            return carry

        lax.fori_loop(0, NT // UNROLL, chunk_body, 0)

        if k == NCH - 1:
            w = c * 16 + s
            out_p = [pltpu.async_copy(vp0, out.at[w], s_out),
                     pltpu.async_copy(vp1, out.at[32 + w], s_out)]

    w = c * 16 + s
    out_g = [pltpu.async_copy(vg0, out.at[64 + w], s_out),
             pltpu.async_copy(vg1, out.at[96 + w], s_out)]
    for cp in out_p + out_g:
        cp.wait()


def _make_sc_kernel():
    mesh = plsc.VectorSubcoreMesh(core_axis_name="c", subcore_axis_name="s")
    return pl.kernel(
        _sc_body,
        out_type=jax.ShapeDtypeStruct((128, PAD), jnp.float32),
        mesh=mesh,
        compiler_params=pltpu.CompilerParams(needs_layout_passes=False),
        scratch_types=[
            pltpu.VMEM((CHUNK_ROWS, W), jnp.float32),
            pltpu.VMEM((CHUNK_ROWS, W), jnp.float32),
            pltpu.VMEM((CHUNK_ROWS, W), jnp.float32),
            pltpu.VMEM((PAD,), jnp.int32),
            pltpu.VMEM((PAD,), jnp.int32),
            pltpu.VMEM((PAD,), jnp.float32),
            pltpu.VMEM((PAD,), jnp.float32),
            pltpu.VMEM((PAD,), jnp.float32),
            pltpu.VMEM((PAD,), jnp.float32),
            pltpu.SemaphoreType.DMA,
            pltpu.SemaphoreType.DMA,
            pltpu.SemaphoreType.DMA,
            pltpu.SemaphoreType.DMA,
        ],
    )


def _loss_body(x_ref, i0_ref, i1_ref, o_ref):
    m0 = jnp.broadcast_to((i0_ref[...] >> 9) < HALF_ROWS, (16, PAD))
    m1 = jnp.broadcast_to((i1_ref[...] >> 9) < HALF_ROWS, (16, PAD))
    p0 = jnp.where(m0, x_ref[0:16], x_ref[16:32])
    p1 = jnp.where(m1, x_ref[32:48], x_ref[48:64])
    g0 = jnp.where(m0, x_ref[64:80], x_ref[80:96])
    g1 = jnp.where(m1, x_ref[96:112], x_ref[112:128])
    d = p0 - p1
    g = g0 - g1
    sq = d * d
    hinge = jnp.maximum(-d * jnp.sign(g), 0.0)
    loss = jnp.where(jnp.abs(g) < DELTA, sq, hinge)
    col = lax.broadcasted_iota(jnp.int32, (16, PAD), 1)
    loss = jnp.where(col < SAMPLE_SIZE, loss, 0.0)
    o_ref[0, 0] = jnp.sum(loss) * (1.0 / (SAMPLE_SIZE * B))


_loss = pl.pallas_call(
    _loss_body,
    out_shape=jax.ShapeDtypeStruct((1, 1), jnp.float32),
    out_specs=pl.BlockSpec(memory_space=pltpu.SMEM),
)


@jax.jit
def kernel(depth_pred, depth_gt, indices):
    dp2 = depth_pred.reshape(B * H, W)
    dg2 = depth_gt.reshape(B * H, W)
    i0 = jnp.pad(indices[:, 0], (0, PAD - SAMPLE_SIZE))
    i1 = jnp.pad(indices[:, 1], (0, PAD - SAMPLE_SIZE))
    vals = _make_sc_kernel()(dp2, dg2, i0, i1)
    return _loss(vals, i0, i1)[0, 0]

# --- scband reference (transcript-rebuilt; emitter-appended) ---
"""Pipeline reference for scband-ordinal-loss-46222438039639 (READ-ONLY COPY).

The authoritative reference and input builder live on the scoring server;
editing this copy changes nothing except your own understanding.
"""

import jax, jax.numpy as jnp
import numpy as np

DELTA = 0.1
SAMPLE_SIZE = 2500
B, H, W = 16, 512, 512

def setup_inputs(seed: int = 0) -> dict:
    key = jax.random.key(seed)
    k1, k2, k3 = jax.random.split(key, 3)
    depth_pred = jax.random.normal(k1, (B, 1, H, W), dtype=jnp.float32)
    depth_gt = jax.random.normal(k2, (B, 1, H, W), dtype=jnp.float32)
    # torch.randint(0, H*W, (sample_size, 2)) -- fixed for determinism
    indices = jax.random.randint(k3, (SAMPLE_SIZE, 2), 0, H * W, dtype=jnp.int32)
    return {"depth_pred": depth_pred, "depth_gt": depth_gt, "indices": indices}

def reference(depth_pred, depth_gt, indices):
    b = depth_pred.shape[0]
    dp = depth_pred.reshape(b, -1)
    dg = depth_gt.reshape(b, -1)
    # gather sampled pixel pairs: (B, SAMPLE_SIZE, 2)
    sampled_pred = jnp.take(dp, indices, axis=1)
    sampled_gt = jnp.take(dg, indices, axis=1)
    depth_diff = sampled_pred[:, :, 0] - sampled_pred[:, :, 1]
    gt_diff = sampled_gt[:, :, 0] - sampled_gt[:, :, 1]
    mask = jnp.abs(gt_diff) < DELTA
    sq = jnp.square(depth_diff)
    hinge = jax.nn.relu(-depth_diff * jnp.sign(gt_diff))
    loss = jnp.where(mask, sq, hinge)
    return jnp.mean(jnp.mean(loss, axis=1))

if __name__ == "__main__":
    import jax
    _d = setup_inputs()
    print(jax.jit(kernel)(*tuple(_d.values())))

</pallas_src>

<mosaic_0001>
#map = affine_map<(d0, d1) -> (0, 0)>
#map1 = affine_map<(d0, d1) -> (0)>
module attributes {stable_mosaic.version = 14 : i64} {
  func.func @_sc_body(%arg0: i32, %arg1: i32, %arg2: memref<8192x512xf32, #tpu.memory_space<hbm>>, %arg3: memref<8192x512xf32, #tpu.memory_space<hbm>>, %arg4: memref<2560xi32, #tpu.memory_space<hbm>>, %arg5: memref<2560xi32, #tpu.memory_space<hbm>>, %arg6: memref<128x2560xf32, #tpu.memory_space<hbm>>, %arg7: memref<64x512xf32, #tpu.memory_space<vmem>>, %arg8: memref<64x512xf32, #tpu.memory_space<vmem>>, %arg9: memref<64x512xf32, #tpu.memory_space<vmem>>, %arg10: memref<2560xi32, #tpu.memory_space<vmem>>, %arg11: memref<2560xi32, #tpu.memory_space<vmem>>, %arg12: memref<2560xf32, #tpu.memory_space<vmem>>, %arg13: memref<2560xf32, #tpu.memory_space<vmem>>, %arg14: memref<2560xf32, #tpu.memory_space<vmem>>, %arg15: memref<2560xf32, #tpu.memory_space<vmem>>, %arg16: memref<!tpu.dma_semaphore, #tpu.memory_space<semaphore_mem>>, %arg17: memref<!tpu.dma_semaphore, #tpu.memory_space<semaphore_mem>>, %arg18: memref<!tpu.dma_semaphore, #tpu.memory_space<semaphore_mem>>, %arg19: memref<!tpu.dma_semaphore, #tpu.memory_space<semaphore_mem>>) attributes {dimension_semantics = [#tpu.dimension_semantics<core_parallel>, #tpu.dimension_semantics<subcore_parallel>], iteration_bounds = array<i64: 2, 16>, scalar_prefetch = 0 : i64, scratch_operands = 13 : i64, tpu.core_type = #tpu.core_type<sc_vector_subcore>, window_params = [{transform_indices = #map}, {transform_indices = #map}, {transform_indices = #map1}, {transform_indices = #map1}, {transform_indices = #map}]} {
    %mul3A = arith.constant 512 : i32
    %mul3A_0 = arith.muli %mul3A, %arg1 : i32
    %mul3A_1 = arith.constant 256 : i32
    %mul3A_2 = arith.muli %mul3A_1, %arg0 : i32
    %add3A = arith.addi %mul3A_0, %mul3A_2 : i32
    %add3A_3 = arith.constant 0 : i32
    %add3A_4 = arith.addi %add3A, %add3A_3 : i32
    %dma_start3A = arith.constant 0 : i32
    %dma_start3A_5 = tpu.memref_slice %arg2[%add3A_4, %dma_start3A] : memref<8192x512xf32, #tpu.memory_space<hbm>> -> memref<64x512xf32, #tpu.memory_space<hbm>>
    %dma_start3A_6 = arith.constant 0 : i32
    %dma_start3A_7 = tpu.memref_slice %arg2[%add3A_4, %dma_start3A_6] : memref<8192x512xf32, #tpu.memory_space<hbm>> -> memref<64x512xf32, #tpu.memory_space<hbm>>
    tpu.enqueue_dma source(%dma_start3A_7 : memref<64x512xf32, #tpu.memory_space<hbm>>) target(%arg7 : memref<64x512xf32, #tpu.memory_space<vmem>>) target_semaphore(%arg16 : memref<!tpu.dma_semaphore, #tpu.memory_space<semaphore_mem>>)
    %mul3A_8 = arith.constant 512 : i32
    %mul3A_9 = arith.muli %mul3A_8, %arg1 : i32
    %mul3A_10 = arith.constant 256 : i32
    %mul3A_11 = arith.muli %mul3A_10, %arg0 : i32
    %add3A_12 = arith.addi %mul3A_9, %mul3A_11 : i32
    %add3A_13 = arith.constant 64 : i32
    %add3A_14 = arith.addi %add3A_12, %add3A_13 : i32
    %dma_start3A_15 = arith.constant 0 : i32
    %dma_start3A_16 = tpu.memref_slice %arg2[%add3A_14, %dma_start3A_15] : memref<8192x512xf32, #tpu.memory_space<hbm>> -> memref<64x512xf32, #tpu.memory_space<hbm>>
    %dma_start3A_17 = arith.constant 0 : i32
    %dma_start3A_18 = tpu.memref_slice %arg2[%add3A_14, %dma_start3A_17] : memref<8192x512xf32, #tpu.memory_space<hbm>> -> memref<64x512xf32, #tpu.memory_space<hbm>>
    tpu.enqueue_dma source(%dma_start3A_18 : memref<64x512xf32, #tpu.memory_space<hbm>>) target(%arg8 : memref<64x512xf32, #tpu.memory_space<vmem>>) target_semaphore(%arg17 : memref<!tpu.dma_semaphore, #tpu.memory_space<semaphore_mem>>)
    "tpu.region"() ({
      %run_scoped3A = tpu.sem_alloc : memref<!tpu.dma_semaphore, #tpu.memory_space<semaphore_mem>>
      tpu.enqueue_dma source(%arg4 : memref<2560xi32, #tpu.memory_space<hbm>>) target(%arg10 : memref<2560xi32, #tpu.memory_space<vmem>>) target_semaphore(%run_scoped3A : memref<!tpu.dma_semaphore, #tpu.memory_space<semaphore_mem>>)
      tpu.wait_dma2 semaphore(%run_scoped3A : memref<!tpu.dma_semaphore, #tpu.memory_space<semaphore_mem>>) src(%arg4 : memref<2560xi32, #tpu.memory_space<hbm>>) dst(%arg10 : memref<2560xi32, #tpu.memory_space<vmem>>)
      tpu.yield
    }) : () -> ()
    "tpu.region"() ({
      %run_scoped3A = tpu.sem_alloc : memref<!tpu.dma_semaphore, #tpu.memory_space<semaphore_mem>>
      tpu.enqueue_dma source(%arg5 : memref<2560xi32, #tpu.memory_space<hbm>>) target(%arg11 : memref<2560xi32, #tpu.memory_space<vmem>>) target_semaphore(%run_scoped3A : memref<!tpu.dma_semaphore, #tpu.memory_space<semaphore_mem>>)
      tpu.wait_dma2 semaphore(%run_scoped3A : memref<!tpu.dma_semaphore, #tpu.memory_space<semaphore_mem>>) src(%arg5 : memref<2560xi32, #tpu.memory_space<hbm>>) dst(%arg11 : memref<2560xi32, #tpu.memory_space<vmem>>)
      tpu.yield
    }) : () -> ()
    %dma_wait3A = arith.constant 0 : i32
    %dma_wait3A_19 = tpu.memref_slice %arg2[%add3A_4, %dma_wait3A] : memref<8192x512xf32, #tpu.memory_space<hbm>> -> memref<64x512xf32, #tpu.memory_space<hbm>>
    %dma_wait3A_20 = arith.constant 0 : i32
    %dma_wait3A_21 = tpu.memref_slice %arg2[%add3A_4, %dma_wait3A_20] : memref<8192x512xf32, #tpu.memory_space<hbm>> -> memref<64x512xf32, #tpu.memory_space<hbm>>
    tpu.wait_dma2 semaphore(%arg16 : memref<!tpu.dma_semaphore, #tpu.memory_space<semaphore_mem>>) src(%dma_wait3A_21 : memref<64x512xf32, #tpu.memory_space<hbm>>) dst(%arg7 : memref<64x512xf32, #tpu.memory_space<vmem>>)
    %mul3A_22 = arith.constant 512 : i32
    %mul3A_23 = arith.muli %mul3A_22, %arg1 : i32
    %mul3A_24 = arith.constant 256 : i32
    %mul3A_25 = arith.muli %mul3A_24, %arg0 : i32
    %add3A_26 = arith.addi %mul3A_23, %mul3A_25 : i32
    %add3A_27 = arith.constant 128 : i32
    %add3A_28 = arith.addi %add3A_26, %add3A_27 : i32
    %dma_start3A_29 = arith.constant 0 : i32
    %dma_start3A_30 = tpu.memref_slice %arg2[%add3A_28, %dma_start3A_29] : memref<8192x512xf32, #tpu.memory_space<hbm>> -> memref<64x512xf32, #tpu.memory_space<hbm>>
    %dma_start3A_31 = arith.constant 0 : i32
    %dma_start3A_32 = tpu.memref_slice %arg2[%add3A_28, %dma_start3A_31] : memref<8192x512xf32, #tpu.memory_space<hbm>> -> memref<64x512xf32, #tpu.memory_space<hbm>>
    tpu.enqueue_dma source(%dma_start3A_32 : memref<64x512xf32, #tpu.memory_space<hbm>>) target(%arg9 : memref<64x512xf32, #tpu.memory_space<vmem>>) target_semaphore(%arg18 : memref<!tpu.dma_semaphore, #tpu.memory_space<semaphore_mem>>)
    %mul3A_33 = arith.constant 256 : i32
    %mul3A_34 = arith.muli %mul3A_33, %arg0 : i32
    %add3A_35 = arith.constant 0 : i32
    %add3A_36 = arith.addi %mul3A_34, %add3A_35 : i32
    %scan3A = arith.constant 0 : i32
    %scan3A_37 = arith.constant 0 : i32
    %scan3A_38 = arith.constant 160 : i32
    %scan3A_39 = arith.addi %scan3A_37, %scan3A_38 : i32
    %scan3A_40 = arith.constant 1 : i32
    scf.for %scan3A_255 = %scan3A_37 to %scan3A_39 step %scan3A_40  : i32 {
      %mul3A_256 = arith.constant 1 : i32
      %mul3A_257 = arith.muli %scan3A_255, %mul3A_256 : i32
      %add3A_258 = arith.constant 0 : i32
      %add3A_259 = arith.addi %mul3A_257, %add3A_258 : i32
      %mul3A_260 = arith.constant 16 : i32
      %mul3A_261 = arith.muli %add3A_259, %mul3A_260 : i32
      %get3A = arith.index_cast %mul3A_261 : i32 to index
      %get3A_262 = tpu.vector_load %arg10[%get3A] {strides = array<i32>} : memref<2560xi32, #tpu.memory_space<vmem>>, vector<16xi32>,
      %shift_right_arithmetic3A = arith.constant 9 : i32
      %shift_right_arithmetic3A_263 = vector.broadcast %shift_right_arithmetic3A : i32 to vector<16xi32>
      %shift_right_arithmetic3A_264 = arith.shrsi %get3A_262, %shift_right_arithmetic3A_263 : vector<16xi32>
      %sub3A = vector.broadcast %add3A_36 : i32 to vector<16xi32>
      %sub3A_265 = arith.subi %shift_right_arithmetic3A_264, %sub3A : vector<16xi32>
      %bitcast3A = vector.bitcast %sub3A_265 : vector<16xi32> to vector<16xi32>
      %lt3A = arith.constant 64 : i32
      %lt3A_266 = vector.broadcast %lt3A : i32 to vector<16xi32>
      %lt3A_267 = arith.cmpi ult, %bitcast3A, %lt3A_266 : vector<16xi32>
      %and3A = arith.constant 63 : i32
      %and3A_268 = vector.broadcast %and3A : i32 to vector<16xi32>
      %and3A_269 = arith.andi %sub3A_265, %and3A_268 : vector<16xi32>
      %and3A_270 = arith.constant 511 : i32
      %and3A_271 = vector.broadcast %and3A_270 : i32 to vector<16xi32>
      %and3A_272 = arith.andi %get3A_262, %and3A_271 : vector<16xi32>
      %gather3A = tpu.vector_load_idx %arg7[%and3A_269, %and3A_272] masked %lt3A_267 : memref<64x512xf32, #tpu.memory_space<vmem>>[vector<16xi32>, vector<16xi32>], vector<16xf32>, vector<16xi1>
      %get3A_273 = arith.index_cast %mul3A_261 : i32 to index
      %get3A_274 = tpu.vector_load %arg12[%get3A_273] {strides = array<i32>} : memref<2560xf32, #tpu.memory_space<vmem>>, vector<16xf32>,
      %select_n3A = arith.select %lt3A_267, %gather3A, %get3A_274 : vector<16xi1>, vector<16xf32>
      %swap3A = arith.index_cast %mul3A_261 : i32 to index
      %swap3A_275 = tpu.vector_load %arg12[%swap3A] {strides = array<i32>} : memref<2560xf32, #tpu.memory_space<vmem>>, vector<16xf32>,
      tpu.vector_store %arg12[%swap3A], %select_n3A {strides = array<i32>} : memref<2560xf32, #tpu.memory_space<vmem>>, vector<16xf32>,
      %get3A_276 = arith.index_cast %mul3A_261 : i32 to index
      %get3A_277 = tpu.vector_load %arg11[%get3A_276] {strides = array<i32>} : memref<2560xi32, #tpu.memory_space<vmem>>, vector<16xi32>,
      %shift_right_arithmetic3A_278 = arith.constant 9 : i32
      %shift_right_arithmetic3A_279 = vector.broadcast %shift_right_arithmetic3A_278 : i32 to vector<16xi32>
      %shift_right_arithmetic3A_280 = arith.shrsi %get3A_277, %shift_right_arithmetic3A_279 : vector<16xi32>
      %sub3A_281 = vector.broadcast %add3A_36 : i32 to vector<16xi32>
      %sub3A_282 = arith.subi %shift_right_arithmetic3A_280, %sub3A_281 : vector<16xi32>
      %bitcast3A_283 = vector.bitcast %sub3A_282 : vector<16xi32> to vector<16xi32>
      %lt3A_284 = arith.constant 64 : i32
      %lt3A_285 = vector.broadcast %lt3A_284 : i32 to vector<16xi32>
      %lt3A_286 = arith.cmpi ult, %bitcast3A_283, %lt3A_285 : vector<16xi32>
      %and3A_287 = arith.constant 63 : i32
      %and3A_288 = vector.broadcast %and3A_287 : i32 to vector<16xi32>
      %and3A_289 = arith.andi %sub3A_282, %and3A_288 : vector<16xi32>
      %and3A_290 = arith.constant 511 : i32
      %and3A_291 = vector.broadcast %and3A_290 : i32 to vector<16xi32>
      %and3A_292 = arith.andi %get3A_277, %and3A_291 : vector<16xi32>
      %gather3A_293 = tpu.vector_load_idx %arg7[%and3A_289, %and3A_292] masked %lt3A_286 : memref<64x512xf32, #tpu.memory_space<vmem>>[vector<16xi32>, vector<16xi32>], vector<16xf32>, vector<16xi1>
      %get3A_294 = arith.index_cast %mul3A_261 : i32 to index
      %get3A_295 = tpu.vector_load %arg13[%get3A_294] {strides = array<i32>} : memref<2560xf32, #tpu.memory_space<vmem>>, vector<16xf32>,
      %select_n3A_296 = arith.select %lt3A_286, %gather3A_293, %get3A_295 : vector<16xi1>, vector<16xf32>
      %swap3A_297 = arith.index_cast %mul3A_261 : i32 to index
      %swap3A_298 = tpu.vector_load %arg13[%swap3A_297] {strides = array<i32>} : memref<2560xf32, #tpu.memory_space<vmem>>, vector<16xf32>,
      tpu.vector_store %arg13[%swap3A_297], %select_n3A_296 {strides = array<i32>} : memref<2560xf32, #tpu.memory_space<vmem>>, vector<16xf32>,
    }
    %scan3A_41 = arith.constant 160 : i32
    %dma_wait3A_42 = arith.constant 0 : i32
    %dma_wait3A_43 = tpu.memref_slice %arg2[%add3A_14, %dma_wait3A_42] : memref<8192x512xf32, #tpu.memory_space<hbm>> -> memref<64x512xf32, #tpu.memory_space<hbm>>
    %dma_wait3A_44 = arith.constant 0 : i32
    %dma_wait3A_45 = tpu.memref_slice %arg2[%add3A_14, %dma_wait3A_44] : memref<8192x512xf32, #tpu.memory_space<hbm>> -> memref<64x512xf32, #tpu.memory_space<hbm>>
    tpu.wait_dma2 semaphore(%arg17 : memref<!tpu.dma_semaphore, #tpu.memory_space<semaphore_mem>>) src(%dma_wait3A_45 : memref<64x512xf32, #tpu.memory_space<hbm>>) dst(%arg8 : memref<64x512xf32, #tpu.memory_space<vmem>>)
    %mul3A_46 = arith.constant 512 : i32
    %mul3A_47 = arith.muli %mul3A_46, %arg1 : i32
    %mul3A_48 = arith.constant 256 : i32
    %mul3A_49 = arith.muli %mul3A_48, %arg0 : i32
    %add3A_50 = arith.addi %mul3A_47, %mul3A_49 : i32
    %add3A_51 = arith.constant 192 : i32
    %add3A_52 = arith.addi %add3A_50, %add3A_51 : i32
    %dma_start3A_53 = arith.constant 0 : i32
    %dma_start3A_54 = tpu.memref_slice %arg2[%add3A_52, %dma_start3A_53] : memref<8192x512xf32, #tpu.memory_space<hbm>> -> memref<64x512xf32, #tpu.memory_space<hbm>>
    %dma_start3A_55 = arith.constant 0 : i32
    %dma_start3A_56 = tpu.memref_slice %arg2[%add3A_52, %dma_start3A_55] : memref<8192x512xf32, #tpu.memory_space<hbm>> -> memref<64x512xf32, #tpu.memory_space<hbm>>
    tpu.enqueue_dma source(%dma_start3A_56 : memref<64x512xf32, #tpu.memory_space<hbm>>) target(%arg7 : memref<64x512xf32, #tpu.memory_space<vmem>>) target_semaphore(%arg16 : memref<!tpu.dma_semaphore, #tpu.memory_space<semaphore_mem>>)
    %mul3A_57 = arith.constant 256 : i32
    %mul3A_58 = arith.muli %mul3A_57, %arg0 : i32
    %add3A_59 = arith.constant 64 : i32
    %add3A_60 = arith.addi %mul3A_58, %add3A_59 : i32
    %scan3A_61 = arith.constant 0 : i32
    %scan3A_62 = arith.constant 0 : i32
    %scan3A_63 = arith.constant 160 : i32
    %scan3A_64 = arith.addi %scan3A_62, %scan3A_63 : i32
    %scan3A_65 = arith.constant 1 : i32
    scf.for %scan3A_255 = %scan3A_62 to %scan3A_64 step %scan3A_65  : i32 {
      %mul3A_256 = arith.constant 1 : i32
      %mul3A_257 = arith.muli %scan3A_255, %mul3A_256 : i32
      %add3A_258 = arith.constant 0 : i32
      %add3A_259 = arith.addi %mul3A_257, %add3A_258 : i32
      %mul3A_260 = arith.constant 16 : i32
      %mul3A_261 = arith.muli %add3A_259, %mul3A_260 : i32
      %get3A = arith.index_cast %mul3A_261 : i32 to index
      %get3A_262 = tpu.vector_load %arg10[%get3A] {strides = array<i32>} : memref<2560xi32, #tpu.memory_space<vmem>>, vector<16xi32>,
      %shift_right_arithmetic3A = arith.constant 9 : i32
      %shift_right_arithmetic3A_263 = vector.broadcast %shift_right_arithmetic3A : i32 to vector<16xi32>
      %shift_right_arithmetic3A_264 = arith.shrsi %get3A_262, %shift_right_arithmetic3A_263 : vector<16xi32>
      %sub3A = vector.broadcast %add3A_60 : i32 to vector<16xi32>
      %sub3A_265 = arith.subi %shift_right_arithmetic3A_264, %sub3A : vector<16xi32>
      %bitcast3A = vector.bitcast %sub3A_265 : vector<16xi32> to vector<16xi32>
      %lt3A = arith.constant 64 : i32
      %lt3A_266 = vector.broadcast %lt3A : i32 to vector<16xi32>
      %lt3A_267 = arith.cmpi ult, %bitcast3A, %lt3A_266 : vector<16xi32>
      %and3A = arith.constant 63 : i32
      %and3A_268 = vector.broadcast %and3A : i32 to vector<16xi32>
      %and3A_269 = arith.andi %sub3A_265, %and3A_268 : vector<16xi32>
      %and3A_270 = arith.constant 511 : i32
      %and3A_271 = vector.broadcast %and3A_270 : i32 to vector<16xi32>
      %and3A_272 = arith.andi %get3A_262, %and3A_271 : vector<16xi32>
      %gather3A = tpu.vector_load_idx %arg8[%and3A_269, %and3A_272] masked %lt3A_267 : memref<64x512xf32, #tpu.memory_space<vmem>>[vector<16xi32>, vector<16xi32>], vector<16xf32>, vector<16xi1>
      %get3A_273 = arith.index_cast %mul3A_261 : i32 to index
      %get3A_274 = tpu.vector_load %arg12[%get3A_273] {strides = array<i32>} : memref<2560xf32, #tpu.memory_space<vmem>>, vector<16xf32>,
      %select_n3A = arith.select %lt3A_267, %gather3A, %get3A_274 : vector<16xi1>, vector<16xf32>
      %swap3A = arith.index_cast %mul3A_261 : i32 to index
      %swap3A_275 = tpu.vector_load %arg12[%swap3A] {strides = array<i32>} : memref<2560xf32, #tpu.memory_space<vmem>>, vector<16xf32>,
      tpu.vector_store %arg12[%swap3A], %select_n3A {strides = array<i32>} : memref<2560xf32, #tpu.memory_space<vmem>>, vector<16xf32>,
      %get3A_276 = arith.index_cast %mul3A_261 : i32 to index
      %get3A_277 = tpu.vector_load %arg11[%get3A_276] {strides = array<i32>} : memref<2560xi32, #tpu.memory_space<vmem>>, vector<16xi32>,
      %shift_right_arithmetic3A_278 = arith.constant 9 : i32
      %shift_right_arithmetic3A_279 = vector.broadcast %shift_right_arithmetic3A_278 : i32 to vector<16xi32>
      %shift_right_arithmetic3A_280 = arith.shrsi %get3A_277, %shift_right_arithmetic3A_279 : vector<16xi32>
      %sub3A_281 = vector.broadcast %add3A_60 : i32 to vector<16xi32>
      %sub3A_282 = arith.subi %shift_right_arithmetic3A_280, %sub3A_281 : vector<16xi32>
      %bitcast3A_283 = vector.bitcast %sub3A_282 : vector<16xi32> to vector<16xi32>
      %lt3A_284 = arith.constant 64 : i32
      %lt3A_285 = vector.broadcast %lt3A_284 : i32 to vector<16xi32>
      %lt3A_286 = arith.cmpi ult, %bitcast3A_283, %lt3A_285 : vector<16xi32>
      %and3A_287 = arith.constant 63 : i32
      %and3A_288 = vector.broadcast %and3A_287 : i32 to vector<16xi32>
      %and3A_289 = arith.andi %sub3A_282, %and3A_288 : vector<16xi32>
      %and3A_290 = arith.constant 511 : i32
      %and3A_291 = vector.broadcast %and3A_290 : i32 to vector<16xi32>
      %and3A_292 = arith.andi %get3A_277, %and3A_291 : vector<16xi32>
      %gather3A_293 = tpu.vector_load_idx %arg8[%and3A_289, %and3A_292] masked %lt3A_286 : memref<64x512xf32, #tpu.memory_space<vmem>>[vector<16xi32>, vector<16xi32>], vector<16xf32>, vector<16xi1>
      %get3A_294 = arith.index_cast %mul3A_261 : i32 to index
      %get3A_295 = tpu.vector_load %arg13[%get3A_294] {strides = array<i32>} : memref<2560xf32, #tpu.memory_space<vmem>>, vector<16xf32>,
      %select_n3A_296 = arith.select %lt3A_286, %gather3A_293, %get3A_295 : vector<16xi1>, vector<16xf32>
      %swap3A_297 = arith.index_cast %mul3A_261 : i32 to index
      %swap3A_298 = tpu.vector_load %arg13[%swap3A_297] {strides = array<i32>} : memref<2560xf32, #tpu.memory_space<vmem>>, vector<16xf32>,
      tpu.vector_store %arg13[%swap3A_297], %select_n3A_296 {strides = array<i32>} : memref<2560xf32, #tpu.memory_space<vmem>>, vector<16xf32>,
    }
    %scan3A_66 = arith.constant 160 : i32
    %dma_wait3A_67 = arith.constant 0 : i32
    %dma_wait3A_68 = tpu.memref_slice %arg2[%add3A_28, %dma_wait3A_67] : memref<8192x512xf32, #tpu.memory_space<hbm>> -> memref<64x512xf32, #tpu.memory_space<hbm>>
    %dma_wait3A_69 = arith.constant 0 : i32
    %dma_wait3A_70 = tpu.memref_slice %arg2[%add3A_28, %dma_wait3A_69] : memref<8192x512xf32, #tpu.memory_space<hbm>> -> memref<64x512xf32, #tpu.memory_space<hbm>>
    tpu.wait_dma2 semaphore(%arg18 : memref<!tpu.dma_semaphore, #tpu.memory_space<semaphore_mem>>) src(%dma_wait3A_70 : memref<64x512xf32, #tpu.memory_space<hbm>>) dst(%arg9 : memref<64x512xf32, #tpu.memory_space<vmem>>)
    %mul3A_71 = arith.constant 512 : i32
    %mul3A_72 = arith.muli %mul3A_71, %arg1 : i32
    %mul3A_73 = arith.constant 256 : i32
    %mul3A_74 = arith.muli %mul3A_73, %arg0 : i32
    %add3A_75 = arith.addi %mul3A_72, %mul3A_74 : i32
    %add3A_76 = arith.constant 0 : i32
    %add3A_77 = arith.addi %add3A_75, %add3A_76 : i32
    %dma_start3A_78 = arith.constant 0 : i32
    %dma_start3A_79 = tpu.memref_slice %arg3[%add3A_77, %dma_start3A_78] : memref<8192x512xf32, #tpu.memory_space<hbm>> -> memref<64x512xf32, #tpu.memory_space<hbm>>
    %dma_start3A_80 = arith.constant 0 : i32
    %dma_start3A_81 = tpu.memref_slice %arg3[%add3A_77, %dma_start3A_80] : memref<8192x512xf32, #tpu.memory_space<hbm>> -> memref<64x512xf32, #tpu.memory_space<hbm>>
    tpu.enqueue_dma source(%dma_start3A_81 : memref<64x512xf32, #tpu.memory_space<hbm>>) target(%arg8 : memref<64x512xf32, #tpu.memory_space<vmem>>) target_semaphore(%arg17 : memref<!tpu.dma_semaphore, #tpu.memory_space<semaphore_mem>>)
    %mul3A_82 = arith.constant 256 : i32
    %mul3A_83 = arith.muli %mul3A_82, %arg0 : i32
    %add3A_84 = arith.constant 128 : i32
    %add3A_85 = arith.addi %mul3A_83, %add3A_84 : i32
    %scan3A_86 = arith.constant 0 : i32
    %scan3A_87 = arith.constant 0 : i32
    %scan3A_88 = arith.constant 160 : i32
    %scan3A_89 = arith.addi %scan3A_87, %scan3A_88 : i32
    %scan3A_90 = arith.constant 1 : i32
    scf.for %scan3A_255 = %scan3A_87 to %scan3A_89 step %scan3A_90  : i32 {
      %mul3A_256 = arith.constant 1 : i32
      %mul3A_257 = arith.muli %scan3A_255, %mul3A_256 : i32
      %add3A_258 = arith.constant 0 : i32
      %add3A_259 = arith.addi %mul3A_257, %add3A_258 : i32
      %mul3A_260 = arith.constant 16 : i32
      %mul3A_261 = arith.muli %add3A_259, %mul3A_260 : i32
      %get3A = arith.index_cast %mul3A_261 : i32 to index
      %get3A_262 = tpu.vector_load %arg10[%get3A] {strides = array<i32>} : memref<2560xi32, #tpu.memory_space<vmem>>, vector<16xi32>,
      %shift_right_arithmetic3A = arith.constant 9 : i32
      %shift_right_arithmetic3A_263 = vector.broadcast %shift_right_arithmetic3A : i32 to vector<16xi32>
      %shift_right_arithmetic3A_264 = arith.shrsi %get3A_262, %shift_right_arithmetic3A_263 : vector<16xi32>
      %sub3A = vector.broadcast %add3A_85 : i32 to vector<16xi32>
      %sub3A_265 = arith.subi %shift_right_arithmetic3A_264, %sub3A : vector<16xi32>
      %bitcast3A = vector.bitcast %sub3A_265 : vector<16xi32> to vector<16xi32>
      %lt3A = arith.constant 64 : i32
      %lt3A_266 = vector.broadcast %lt3A : i32 to vector<16xi32>
      %lt3A_267 = arith.cmpi ult, %bitcast3A, %lt3A_266 : vector<16xi32>
      %and3A = arith.constant 63 : i32
      %and3A_268 = vector.broadcast %and3A : i32 to vector<16xi32>
      %and3A_269 = arith.andi %sub3A_265, %and3A_268 : vector<16xi32>
      %and3A_270 = arith.constant 511 : i32
      %and3A_271 = vector.broadcast %and3A_270 : i32 to vector<16xi32>
      %and3A_272 = arith.andi %get3A_262, %and3A_271 : vector<16xi32>
      %gather3A = tpu.vector_load_idx %arg9[%and3A_269, %and3A_272] masked %lt3A_267 : memref<64x512xf32, #tpu.memory_space<vmem>>[vector<16xi32>, vector<16xi32>], vector<16xf32>, vector<16xi1>
      %get3A_273 = arith.index_cast %mul3A_261 : i32 to index
      %get3A_274 = tpu.vector_load %arg12[%get3A_273] {strides = array<i32>} : memref<2560xf32, #tpu.memory_space<vmem>>, vector<16xf32>,
      %select_n3A = arith.select %lt3A_267, %gather3A, %get3A_274 : vector<16xi1>, vector<16xf32>
      %swap3A = arith.index_cast %mul3A_261 : i32 to index
      %swap3A_275 = tpu.vector_load %arg12[%swap3A] {strides = array<i32>} : memref<2560xf32, #tpu.memory_space<vmem>>, vector<16xf32>,
      tpu.vector_store %arg12[%swap3A], %select_n3A {strides = array<i32>} : memref<2560xf32, #tpu.memory_space<vmem>>, vector<16xf32>,
      %get3A_276 = arith.index_cast %mul3A_261 : i32 to index
      %get3A_277 = tpu.vector_load %arg11[%get3A_276] {strides = array<i32>} : memref<2560xi32, #tpu.memory_space<vmem>>, vector<16xi32>,
      %shift_right_arithmetic3A_278 = arith.constant 9 : i32
      %shift_right_arithmetic3A_279 = vector.broadcast %shift_right_arithmetic3A_278 : i32 to vector<16xi32>
      %shift_right_arithmetic3A_280 = arith.shrsi %get3A_277, %shift_right_arithmetic3A_279 : vector<16xi32>
      %sub3A_281 = vector.broadcast %add3A_85 : i32 to vector<16xi32>
      %sub3A_282 = arith.subi %shift_right_arithmetic3A_280, %sub3A_281 : vector<16xi32>
      %bitcast3A_283 = vector.bitcast %sub3A_282 : vector<16xi32> to vector<16xi32>
      %lt3A_284 = arith.constant 64 : i32
      %lt3A_285 = vector.broadcast %lt3A_284 : i32 to vector<16xi32>
      %lt3A_286 = arith.cmpi ult, %bitcast3A_283, %lt3A_285 : vector<16xi32>
      %and3A_287 = arith.constant 63 : i32
      %and3A_288 = vector.broadcast %and3A_287 : i32 to vector<16xi32>
      %and3A_289 = arith.andi %sub3A_282, %and3A_288 : vector<16xi32>
      %and3A_290 = arith.constant 511 : i32
      %and3A_291 = vector.broadcast %and3A_290 : i32 to vector<16xi32>
      %and3A_292 = arith.andi %get3A_277, %and3A_291 : vector<16xi32>
      %gather3A_293 = tpu.vector_load_idx %arg9[%and3A_289, %and3A_292] masked %lt3A_286 : memref<64x512xf32, #tpu.memory_space<vmem>>[vector<16xi32>, vector<16xi32>], vector<16xf32>, vector<16xi1>
      %get3A_294 = arith.index_cast %mul3A_261 : i32 to index
      %get3A_295 = tpu.vector_load %arg13[%get3A_294] {strides = array<i32>} : memref<2560xf32, #tpu.memory_space<vmem>>, vector<16xf32>,
      %select_n3A_296 = arith.select %lt3A_286, %gather3A_293, %get3A_295 : vector<16xi1>, vector<16xf32>
      %swap3A_297 = arith.index_cast %mul3A_261 : i32 to index
      %swap3A_298 = tpu.vector_load %arg13[%swap3A_297] {strides = array<i32>} : memref<2560xf32, #tpu.memory_space<vmem>>, vector<16xf32>,
      tpu.vector_store %arg13[%swap3A_297], %select_n3A_296 {strides = array<i32>} : memref<2560xf32, #tpu.memory_space<vmem>>, vector<16xf32>,
    }
    %scan3A_91 = arith.constant 160 : i32
    %dma_wait3A_92 = arith.constant 0 : i32
    %dma_wait3A_93 = tpu.memref_slice %arg2[%add3A_52, %dma_wait3A_92] : memref<8192x512xf32, #tpu.memory_space<hbm>> -> memref<64x512xf32, #tpu.memory_space<hbm>>
    %dma_wait3A_94 = arith.constant 0 : i32
    %dma_wait3A_95 = tpu.memref_slice %arg2[%add3A_52, %dma_wait3A_94] : memref<8192x512xf32, #tpu.memory_space<hbm>> -> memref<64x512xf32, #tpu.memory_space<hbm>>
    tpu.wait_dma2 semaphore(%arg16 : memref<!tpu.dma_semaphore, #tpu.memory_space<semaphore_mem>>) src(%dma_wait3A_95 : memref<64x512xf32, #tpu.memory_space<hbm>>) dst(%arg7 : memref<64x512xf32, #tpu.memory_space<vmem>>)
    %mul3A_96 = arith.constant 512 : i32
    %mul3A_97 = arith.muli %mul3A_96, %arg1 : i32
    %mul3A_98 = arith.constant 256 : i32
    %mul3A_99 = arith.muli %mul3A_98, %arg0 : i32
    %add3A_100 = arith.addi %mul3A_97, %mul3A_99 : i32
    %add3A_101 = arith.constant 64 : i32
    %add3A_102 = arith.addi %add3A_100, %add3A_101 : i32
    %dma_start3A_103 = arith.constant 0 : i32
    %dma_start3A_104 = tpu.memref_slice %arg3[%add3A_102, %dma_start3A_103] : memref<8192x512xf32, #tpu.memory_space<hbm>> -> memref<64x512xf32, #tpu.memory_space<hbm>>
    %dma_start3A_105 = arith.constant 0 : i32
    %dma_start3A_106 = tpu.memref_slice %arg3[%add3A_102, %dma_start3A_105] : memref<8192x512xf32, #tpu.memory_space<hbm>> -> memref<64x512xf32, #tpu.memory_space<hbm>>
    tpu.enqueue_dma source(%dma_start3A_106 : memref<64x512xf32, #tpu.memory_space<hbm>>) target(%arg9 : memref<64x512xf32, #tpu.memory_space<vmem>>) target_semaphore(%arg18 : memref<!tpu.dma_semaphore, #tpu.memory_space<semaphore_mem>>)
    %mul3A_107 = arith.constant 256 : i32
    %mul3A_108 = arith.muli %mul3A_107, %arg0 : i32
    %add3A_109 = arith.constant 192 : i32
    %add3A_110 = arith.addi %mul3A_108, %add3A_109 : i32
    %scan3A_111 = arith.constant 0 : i32
    %scan3A_112 = arith.constant 0 : i32
    %scan3A_113 = arith.constant 160 : i32
    %scan3A_114 = arith.addi %scan3A_112, %scan3A_113 : i32
    %scan3A_115 = arith.constant 1 : i32
    scf.for %scan3A_255 = %scan3A_112 to %scan3A_114 step %scan3A_115  : i32 {
      %mul3A_256 = arith.constant 1 : i32
      %mul3A_257 = arith.muli %scan3A_255, %mul3A_256 : i32
      %add3A_258 = arith.constant 0 : i32
      %add3A_259 = arith.addi %mul3A_257, %add3A_258 : i32
      %mul3A_260 = arith.constant 16 : i32
      %mul3A_261 = arith.muli %add3A_259, %mul3A_260 : i32
      %get3A = arith.index_cast %mul3A_261 : i32 to index
      %get3A_262 = tpu.vector_load %arg10[%get3A] {strides = array<i32>} : memref<2560xi32, #tpu.memory_space<vmem>>, vector<16xi32>,
      %shift_right_arithmetic3A = arith.constant 9 : i32
      %shift_right_arithmetic3A_263 = vector.broadcast %shift_right_arithmetic3A : i32 to vector<16xi32>
      %shift_right_arithmetic3A_264 = arith.shrsi %get3A_262, %shift_right_arithmetic3A_263 : vector<16xi32>
      %sub3A = vector.broadcast %add3A_110 : i32 to vector<16xi32>
      %sub3A_265 = arith.subi %shift_right_arithmetic3A_264, %sub3A : vector<16xi32>
      %bitcast3A = vector.bitcast %sub3A_265 : vector<16xi32> to vector<16xi32>
      %lt3A = arith.constant 64 : i32
      %lt3A_266 = vector.broadcast %lt3A : i32 to vector<16xi32>
      %lt3A_267 = arith.cmpi ult, %bitcast3A, %lt3A_266 : vector<16xi32>
      %and3A = arith.constant 63 : i32
      %and3A_268 = vector.broadcast %and3A : i32 to vector<16xi32>
      %and3A_269 = arith.andi %sub3A_265, %and3A_268 : vector<16xi32>
      %and3A_270 = arith.constant 511 : i32
      %and3A_271 = vector.broadcast %and3A_270 : i32 to vector<16xi32>
      %and3A_272 = arith.andi %get3A_262, %and3A_271 : vector<16xi32>
      %gather3A = tpu.vector_load_idx %arg7[%and3A_269, %and3A_272] masked %lt3A_267 : memref<64x512xf32, #tpu.memory_space<vmem>>[vector<16xi32>, vector<16xi32>], vector<16xf32>, vector<16xi1>
      %get3A_273 = arith.index_cast %mul3A_261 : i32 to index
      %get3A_274 = tpu.vector_load %arg12[%get3A_273] {strides = array<i32>} : memref<2560xf32, #tpu.memory_space<vmem>>, vector<16xf32>,
      %select_n3A = arith.select %lt3A_267, %gather3A, %get3A_274 : vector<16xi1>, vector<16xf32>
      %swap3A = arith.index_cast %mul3A_261 : i32 to index
      %swap3A_275 = tpu.vector_load %arg12[%swap3A] {strides = array<i32>} : memref<2560xf32, #tpu.memory_space<vmem>>, vector<16xf32>,
      tpu.vector_store %arg12[%swap3A], %select_n3A {strides = array<i32>} : memref<2560xf32, #tpu.memory_space<vmem>>, vector<16xf32>,
      %get3A_276 = arith.index_cast %mul3A_261 : i32 to index
      %get3A_277 = tpu.vector_load %arg11[%get3A_276] {strides = array<i32>} : memref<2560xi32, #tpu.memory_space<vmem>>, vector<16xi32>,
      %shift_right_arithmetic3A_278 = arith.constant 9 : i32
      %shift_right_arithmetic3A_279 = vector.broadcast %shift_right_arithmetic3A_278 : i32 to vector<16xi32>
      %shift_right_arithmetic3A_280 = arith.shrsi %get3A_277, %shift_right_arithmetic3A_279 : vector<16xi32>
      %sub3A_281 = vector.broadcast %add3A_110 : i32 to vector<16xi32>
      %sub3A_282 = arith.subi %shift_right_arithmetic3A_280, %sub3A_281 : vector<16xi32>
      %bitcast3A_283 = vector.bitcast %sub3A_282 : vector<16xi32> to vector<16xi32>
      %lt3A_284 = arith.constant 64 : i32
      %lt3A_285 = vector.broadcast %lt3A_284 : i32 to vector<16xi32>
      %lt3A_286 = arith.cmpi ult, %bitcast3A_283, %lt3A_285 : vector<16xi32>
      %and3A_287 = arith.constant 63 : i32
      %and3A_288 = vector.broadcast %and3A_287 : i32 to vector<16xi32>
      %and3A_289 = arith.andi %sub3A_282, %and3A_288 : vector<16xi32>
      %and3A_290 = arith.constant 511 : i32
      %and3A_291 = vector.broadcast %and3A_290 : i32 to vector<16xi32>
      %and3A_292 = arith.andi %get3A_277, %and3A_291 : vector<16xi32>
      %gather3A_293 = tpu.vector_load_idx %arg7[%and3A_289, %and3A_292] masked %lt3A_286 : memref<64x512xf32, #tpu.memory_space<vmem>>[vector<16xi32>, vector<16xi32>], vector<16xf32>, vector<16xi1>
      %get3A_294 = arith.index_cast %mul3A_261 : i32 to index
      %get3A_295 = tpu.vector_load %arg13[%get3A_294] {strides = array<i32>} : memref<2560xf32, #tpu.memory_space<vmem>>, vector<16xf32>,
      %select_n3A_296 = arith.select %lt3A_286, %gather3A_293, %get3A_295 : vector<16xi1>, vector<16xf32>
      %swap3A_297 = arith.index_cast %mul3A_261 : i32 to index
      %swap3A_298 = tpu.vector_load %arg13[%swap3A_297] {strides = array<i32>} : memref<2560xf32, #tpu.memory_space<vmem>>, vector<16xf32>,
      tpu.vector_store %arg13[%swap3A_297], %select_n3A_296 {strides = array<i32>} : memref<2560xf32, #tpu.memory_space<vmem>>, vector<16xf32>,
    }
    %scan3A_116 = arith.constant 160 : i32
    %mul3A_117 = arith.constant 16 : i32
    %mul3A_118 = arith.muli %arg0, %mul3A_117 : i32
    %add3A_119 = arith.addi %mul3A_118, %arg1 : i32
    %dma_start3A_120 = arith.constant 0 : i32
    %dma_start3A_121 = tpu.memref_slice %arg6[%add3A_119, %dma_start3A_120] : memref<128x2560xf32, #tpu.memory_space<hbm>> -> memref<1x2560xf32, #tpu.memory_space<hbm>>
    %dma_start3A_122 = tpu.memref_squeeze %dma_start3A_121 : memref<1x2560xf32, #tpu.memory_space<hbm>> -> memref<2560xf32, #tpu.memory_space<hbm>>
    %dma_start3A_123 = arith.constant 0 : i32
    %dma_start3A_124 = tpu.memref_slice %arg6[%add3A_119, %dma_start3A_123] : memref<128x2560xf32, #tpu.memory_space<hbm>> -> memref<1x2560xf32, #tpu.memory_space<hbm>>
    %dma_start3A_125 = tpu.memref_squeeze %dma_start3A_124 : memref<1x2560xf32, #tpu.memory_space<hbm>> -> memref<2560xf32, #tpu.memory_space<hbm>>
    tpu.enqueue_dma source(%arg12 : memref<2560xf32, #tpu.memory_space<vmem>>) target(%dma_start3A_125 : memref<2560xf32, #tpu.memory_space<hbm>>) target_semaphore(%arg19 : memref<!tpu.dma_semaphore, #tpu.memory_space<semaphore_mem>>)
    %add3A_126 = arith.constant 32 : i32
    %add3A_127 = arith.addi %add3A_126, %add3A_119 : i32
    %dma_start3A_128 = arith.constant 0 : i32
    %dma_start3A_129 = tpu.memref_slice %arg6[%add3A_127, %dma_start3A_128] : memref<128x2560xf32, #tpu.memory_space<hbm>> -> memref<1x2560xf32, #tpu.memory_space<hbm>>
    %dma_start3A_130 = tpu.memref_squeeze %dma_start3A_129 : memref<1x2560xf32, #tpu.memory_space<hbm>> -> memref<2560xf32, #tpu.memory_space<hbm>>
    %dma_start3A_131 = arith.constant 0 : i32
    %dma_start3A_132 = tpu.memref_slice %arg6[%add3A_127, %dma_start3A_131] : memref<128x2560xf32, #tpu.memory_space<hbm>> -> memref<1x2560xf32, #tpu.memory_space<hbm>>
    %dma_start3A_133 = tpu.memref_squeeze %dma_start3A_132 : memref<1x2560xf32, #tpu.memory_space<hbm>> -> memref<2560xf32, #tpu.memory_space<hbm>>
    tpu.enqueue_dma source(%arg13 : memref<2560xf32, #tpu.memory_space<vmem>>) target(%dma_start3A_133 : memref<2560xf32, #tpu.memory_space<hbm>>) target_semaphore(%arg19 : memref<!tpu.dma_semaphore, #tpu.memory_space<semaphore_mem>>)
    %dma_wait3A_134 = arith.constant 0 : i32
    %dma_wait3A_135 = tpu.memref_slice %arg3[%add3A_77, %dma_wait3A_134] : memref<8192x512xf32, #tpu.memory_space<hbm>> -> memref<64x512xf32, #tpu.memory_space<hbm>>
    %dma_wait3A_136 = arith.constant 0 : i32
    %dma_wait3A_137 = tpu.memref_slice %arg3[%add3A_77, %dma_wait3A_136] : memref<8192x512xf32, #tpu.memory_space<hbm>> -> memref<64x512xf32, #tpu.memory_space<hbm>>
    tpu.wait_dma2 semaphore(%arg17 : memref<!tpu.dma_semaphore, #tpu.memory_space<semaphore_mem>>) src(%dma_wait3A_137 : memref<64x512xf32, #tpu.memory_space<hbm>>) dst(%arg8 : memref<64x512xf32, #tpu.memory_space<vmem>>)
    %mul3A_138 = arith.constant 512 : i32
    %mul3A_139 = arith.muli %mul3A_138, %arg1 : i32
    %mul3A_140 = arith.constant 256 : i32
    %mul3A_141 = arith.muli %mul3A_140, %arg0 : i32
    %add3A_142 = arith.addi %mul3A_139, %mul3A_141 : i32
    %add3A_143 = arith.constant 128 : i32
    %add3A_144 = arith.addi %add3A_142, %add3A_143 : i32
    %dma_start3A_145 = arith.constant 0 : i32
    %dma_start3A_146 = tpu.memref_slice %arg3[%add3A_144, %dma_start3A_145] : memref<8192x512xf32, #tpu.memory_space<hbm>> -> memref<64x512xf32, #tpu.memory_space<hbm>>
    %dma_start3A_147 = arith.constant 0 : i32
    %dma_start3A_148 = tpu.memref_slice %arg3[%add3A_144, %dma_start3A_147] : memref<8192x512xf32, #tpu.memory_space<hbm>> -> memref<64x512xf32, #tpu.memory_space<hbm>>
    tpu.enqueue_dma source(%dma_start3A_148 : memref<64x512xf32, #tpu.memory_space<hbm>>) target(%arg7 : memref<64x512xf32, #tpu.memory_space<vmem>>) target_semaphore(%arg16 : memref<!tpu.dma_semaphore, #tpu.memory_space<semaphore_mem>>)
    %mul3A_149 = arith.constant 256 : i32
    %mul3A_150 = arith.muli %mul3A_149, %arg0 : i32
    %add3A_151 = arith.constant 0 : i32
    %add3A_152 = arith.addi %mul3A_150, %add3A_151 : i32
    %scan3A_153 = arith.constant 0 : i32
    %scan3A_154 = arith.constant 0 : i32
    %scan3A_155 = arith.constant 160 : i32
    %scan3A_156 = arith.addi %scan3A_154, %scan3A_155 : i32
    %scan3A_157 = arith.constant 1 : i32
    scf.for %scan3A_255 = %scan3A_154 to %scan3A_156 step %scan3A_157  : i32 {
      %mul3A_256 = arith.constant 1 : i32
      %mul3A_257 = arith.muli %scan3A_255, %mul3A_256 : i32
      %add3A_258 = arith.constant 0 : i32
      %add3A_259 = arith.addi %mul3A_257, %add3A_258 : i32
      %mul3A_260 = arith.constant 16 : i32
      %mul3A_261 = arith.muli %add3A_259, %mul3A_260 : i32
      %get3A = arith.index_cast %mul3A_261 : i32 to index
      %get3A_262 = tpu.vector_load %arg10[%get3A] {strides = array<i32>} : memref<2560xi32, #tpu.memory_space<vmem>>, vector<16xi32>,
      %shift_right_arithmetic3A = arith.constant 9 : i32
      %shift_right_arithmetic3A_263 = vector.broadcast %shift_right_arithmetic3A : i32 to vector<16xi32>
      %shift_right_arithmetic3A_264 = arith.shrsi %get3A_262, %shift_right_arithmetic3A_263 : vector<16xi32>
      %sub3A = vector.broadcast %add3A_152 : i32 to vector<16xi32>
      %sub3A_265 = arith.subi %shift_right_arithmetic3A_264, %sub3A : vector<16xi32>
      %bitcast3A = vector.bitcast %sub3A_265 : vector<16xi32> to vector<16xi32>
      %lt3A = arith.constant 64 : i32
      %lt3A_266 = vector.broadcast %lt3A : i32 to vector<16xi32>
      %lt3A_267 = arith.cmpi ult, %bitcast3A, %lt3A_266 : vector<16xi32>
      %and3A = arith.constant 63 : i32
      %and3A_268 = vector.broadcast %and3A : i32 to vector<16xi32>
      %and3A_269 = arith.andi %sub3A_265, %and3A_268 : vector<16xi32>
      %and3A_270 = arith.constant 511 : i32
      %and3A_271 = vector.broadcast %and3A_270 : i32 to vector<16xi32>
      %and3A_272 = arith.andi %get3A_262, %and3A_271 : vector<16xi32>
      %gather3A = tpu.vector_load_idx %arg8[%and3A_269, %and3A_272] masked %lt3A_267 : memref<64x512xf32, #tpu.memory_space<vmem>>[vector<16xi32>, vector<16xi32>], vector<16xf32>, vector<16xi1>
      %get3A_273 = arith.index_cast %mul3A_261 : i32 to index
      %get3A_274 = tpu.vector_load %arg14[%get3A_273] {strides = array<i32>} : memref<2560xf32, #tpu.memory_space<vmem>>, vector<16xf32>,
      %select_n3A = arith.select %lt3A_267, %gather3A, %get3A_274 : vector<16xi1>, vector<16xf32>
      %swap3A = arith.index_cast %mul3A_261 : i32 to index
      %swap3A_275 = tpu.vector_load %arg14[%swap3A] {strides = array<i32>} : memref<2560xf32, #tpu.memory_space<vmem>>, vector<16xf32>,
      tpu.vector_store %arg14[%swap3A], %select_n3A {strides = array<i32>} : memref<2560xf32, #tpu.memory_space<vmem>>, vector<16xf32>,
      %get3A_276 = arith.index_cast %mul3A_261 : i32 to index
      %get3A_277 = tpu.vector_load %arg11[%get3A_276] {strides = array<i32>} : memref<2560xi32, #tpu.memory_space<vmem>>, vector<16xi32>,
      %shift_right_arithmetic3A_278 = arith.constant 9 : i32
      %shift_right_arithmetic3A_279 = vector.broadcast %shift_right_arithmetic3A_278 : i32 to vector<16xi32>
      %shift_right_arithmetic3A_280 = arith.shrsi %get3A_277, %shift_right_arithmetic3A_279 : vector<16xi32>
      %sub3A_281 = vector.broadcast %add3A_152 : i32 to vector<16xi32>
      %sub3A_282 = arith.subi %shift_right_arithmetic3A_280, %sub3A_281 : vector<16xi32>
      %bitcast3A_283 = vector.bitcast %sub3A_282 : vector<16xi32> to vector<16xi32>
      %lt3A_284 = arith.constant 64 : i32
      %lt3A_285 = vector.broadcast %lt3A_284 : i32 to vector<16xi32>
      %lt3A_286 = arith.cmpi ult, %bitcast3A_283, %lt3A_285 : vector<16xi32>
      %and3A_287 = arith.constant 63 : i32
      %and3A_288 = vector.broadcast %and3A_287 : i32 to vector<16xi32>
      %and3A_289 = arith.andi %sub3A_282, %and3A_288 : vector<16xi32>
      %and3A_290 = arith.constant 511 : i32
      %and3A_291 = vector.broadcast %and3A_290 : i32 to vector<16xi32>
      %and3A_292 = arith.andi %get3A_277, %and3A_291 : vector<16xi32>
      %gather3A_293 = tpu.vector_load_idx %arg8[%and3A_289, %and3A_292] masked %lt3A_286 : memref<64x512xf32, #tpu.memory_space<vmem>>[vector<16xi32>, vector<16xi32>], vector<16xf32>, vector<16xi1>
      %get3A_294 = arith.index_cast %mul3A_261 : i32 to index
      %get3A_295 = tpu.vector_load %arg15[%get3A_294] {strides = array<i32>} : memref<2560xf32, #tpu.memory_space<vmem>>, vector<16xf32>,
      %select_n3A_296 = arith.select %lt3A_286, %gather3A_293, %get3A_295 : vector<16xi1>, vector<16xf32>
      %swap3A_297 = arith.index_cast %mul3A_261 : i32 to index
      %swap3A_298 = tpu.vector_load %arg15[%swap3A_297] {strides = array<i32>} : memref<2560xf32, #tpu.memory_space<vmem>>, vector<16xf32>,
      tpu.vector_store %arg15[%swap3A_297], %select_n3A_296 {strides = array<i32>} : memref<2560xf32, #tpu.memory_space<vmem>>, vector<16xf32>,
    }
    %scan3A_158 = arith.constant 160 : i32
    %dma_wait3A_159 = arith.constant 0 : i32
    %dma_wait3A_160 = tpu.memref_slice %arg3[%add3A_102, %dma_wait3A_159] : memref<8192x512xf32, #tpu.memory_space<hbm>> -> memref<64x512xf32, #tpu.memory_space<hbm>>
    %dma_wait3A_161 = arith.constant 0 : i32
    %dma_wait3A_162 = tpu.memref_slice %arg3[%add3A_102, %dma_wait3A_161] : memref<8192x512xf32, #tpu.memory_space<hbm>> -> memref<64x512xf32, #tpu.memory_space<hbm>>
    tpu.wait_dma2 semaphore(%arg18 : memref<!tpu.dma_semaphore, #tpu.memory_space<semaphore_mem>>) src(%dma_wait3A_162 : memref<64x512xf32, #tpu.memory_space<hbm>>) dst(%arg9 : memref<64x512xf32, #tpu.memory_space<vmem>>)
    %mul3A_163 = arith.constant 512 : i32
    %mul3A_164 = arith.muli %mul3A_163, %arg1 : i32
    %mul3A_165 = arith.constant 256 : i32
    %mul3A_166 = arith.muli %mul3A_165, %arg0 : i32
    %add3A_167 = arith.addi %mul3A_164, %mul3A_166 : i32
    %add3A_168 = arith.constant 192 : i32
    %add3A_169 = arith.addi %add3A_167, %add3A_168 : i32
    %dma_start3A_170 = arith.constant 0 : i32
    %dma_start3A_171 = tpu.memref_slice %arg3[%add3A_169, %dma_start3A_170] : memref<8192x512xf32, #tpu.memory_space<hbm>> -> memref<64x512xf32, #tpu.memory_space<hbm>>
    %dma_start3A_172 = arith.constant 0 : i32
    %dma_start3A_173 = tpu.memref_slice %arg3[%add3A_169, %dma_start3A_172] : memref<8192x512xf32, #tpu.memory_space<hbm>> -> memref<64x512xf32, #tpu.memory_space<hbm>>
    tpu.enqueue_dma source(%dma_start3A_173 : memref<64x512xf32, #tpu.memory_space<hbm>>) target(%arg8 : memref<64x512xf32, #tpu.memory_space<vmem>>) target_semaphore(%arg17 : memref<!tpu.dma_semaphore, #tpu.memory_space<semaphore_mem>>)
    %mul3A_174 = arith.constant 256 : i32
    %mul3A_175 = arith.muli %mul3A_174, %arg0 : i32
    %add3A_176 = arith.constant 64 : i32
    %add3A_177 = arith.addi %mul3A_175, %add3A_176 : i32
    %scan3A_178 = arith.constant 0 : i32
    %scan3A_179 = arith.constant 0 : i32
    %scan3A_180 = arith.constant 160 : i32
    %scan3A_181 = arith.addi %scan3A_179, %scan3A_180 : i32
    %scan3A_182 = arith.constant 1 : i32
    scf.for %scan3A_255 = %scan3A_179 to %scan3A_181 step %scan3A_182  : i32 {
      %mul3A_256 = arith.constant 1 : i32
      %mul3A_257 = arith.muli %scan3A_255, %mul3A_256 : i32
      %add3A_258 = arith.constant 0 : i32
      %add3A_259 = arith.addi %mul3A_257, %add3A_258 : i32
      %mul3A_260 = arith.constant 16 : i32
      %mul3A_261 = arith.muli %add3A_259, %mul3A_260 : i32
      %get3A = arith.index_cast %mul3A_261 : i32 to index
      %get3A_262 = tpu.vector_load %arg10[%get3A] {strides = array<i32>} : memref<2560xi32, #tpu.memory_space<vmem>>, vector<16xi32>,
      %shift_right_arithmetic3A = arith.constant 9 : i32
      %shift_right_arithmetic3A_263 = vector.broadcast %shift_right_arithmetic3A : i32 to vector<16xi32>
      %shift_right_arithmetic3A_264 = arith.shrsi %get3A_262, %shift_right_arithmetic3A_263 : vector<16xi32>
      %sub3A = vector.broadcast %add3A_177 : i32 to vector<16xi32>
      %sub3A_265 = arith.subi %shift_right_arithmetic3A_264, %sub3A : vector<16xi32>
      %bitcast3A = vector.bitcast %sub3A_265 : vector<16xi32> to vector<16xi32>
      %lt3A = arith.constant 64 : i32
      %lt3A_266 = vector.broadcast %lt3A : i32 to vector<16xi32>
      %lt3A_267 = arith.cmpi ult, %bitcast3A, %lt3A_266 : vector<16xi32>
      %and3A = arith.constant 63 : i32
      %and3A_268 = vector.broadcast %and3A : i32 to vector<16xi32>
      %and3A_269 = arith.andi %sub3A_265, %and3A_268 : vector<16xi32>
      %and3A_270 = arith.constant 511 : i32
      %and3A_271 = vector.broadcast %and3A_270 : i32 to vector<16xi32>
      %and3A_272 = arith.andi %get3A_262, %and3A_271 : vector<16xi32>
      %gather3A = tpu.vector_load_idx %arg9[%and3A_269, %and3A_272] masked %lt3A_267 : memref<64x512xf32, #tpu.memory_space<vmem>>[vector<16xi32>, vector<16xi32>], vector<16xf32>, vector<16xi1>
      %get3A_273 = arith.index_cast %mul3A_261 : i32 to index
      %get3A_274 = tpu.vector_load %arg14[%get3A_273] {strides = array<i32>} : memref<2560xf32, #tpu.memory_space<vmem>>, vector<16xf32>,
      %select_n3A = arith.select %lt3A_267, %gather3A, %get3A_274 : vector<16xi1>, vector<16xf32>
      %swap3A = arith.index_cast %mul3A_261 : i32 to index
      %swap3A_275 = tpu.vector_load %arg14[%swap3A] {strides = array<i32>} : memref<2560xf32, #tpu.memory_space<vmem>>, vector<16xf32>,
      tpu.vector_store %arg14[%swap3A], %select_n3A {strides = array<i32>} : memref<2560xf32, #tpu.memory_space<vmem>>, vector<16xf32>,
      %get3A_276 = arith.index_cast %mul3A_261 : i32 to index
      %get3A_277 = tpu.vector_load %arg11[%get3A_276] {strides = array<i32>} : memref<2560xi32, #tpu.memory_space<vmem>>, vector<16xi32>,
      %shift_right_arithmetic3A_278 = arith.constant 9 : i32
      %shift_right_arithmetic3A_279 = vector.broadcast %shift_right_arithmetic3A_278 : i32 to vector<16xi32>
      %shift_right_arithmetic3A_280 = arith.shrsi %get3A_277, %shift_right_arithmetic3A_279 : vector<16xi32>
      %sub3A_281 = vector.broadcast %add3A_177 : i32 to vector<16xi32>
      %sub3A_282 = arith.subi %shift_right_arithmetic3A_280, %sub3A_281 : vector<16xi32>
      %bitcast3A_283 = vector.bitcast %sub3A_282 : vector<16xi32> to vector<16xi32>
      %lt3A_284 = arith.constant 64 : i32
      %lt3A_285 = vector.broadcast %lt3A_284 : i32 to vector<16xi32>
      %lt3A_286 = arith.cmpi ult, %bitcast3A_283, %lt3A_285 : vector<16xi32>
      %and3A_287 = arith.constant 63 : i32
      %and3A_288 = vector.broadcast %and3A_287 : i32 to vector<16xi32>
      %and3A_289 = arith.andi %sub3A_282, %and3A_288 : vector<16xi32>
      %and3A_290 = arith.constant 511 : i32
      %and3A_291 = vector.broadcast %and3A_290 : i32 to vector<16xi32>
      %and3A_292 = arith.andi %get3A_277, %and3A_291 : vector<16xi32>
      %gather3A_293 = tpu.vector_load_idx %arg9[%and3A_289, %and3A_292] masked %lt3A_286 : memref<64x512xf32, #tpu.memory_space<vmem>>[vector<16xi32>, vector<16xi32>], vector<16xf32>, vector<16xi1>
      %get3A_294 = arith.index_cast %mul3A_261 : i32 to index
      %get3A_295 = tpu.vector_load %arg15[%get3A_294] {strides = array<i32>} : memref<2560xf32, #tpu.memory_space<vmem>>, vector<16xf32>,
      %select_n3A_296 = arith.select %lt3A_286, %gather3A_293, %get3A_295 : vector<16xi1>, vector<16xf32>
      %swap3A_297 = arith.index_cast %mul3A_261 : i32 to index
      %swap3A_298 = tpu.vector_load %arg15[%swap3A_297] {strides = array<i32>} : memref<2560xf32, #tpu.memory_space<vmem>>, vector<16xf32>,
      tpu.vector_store %arg15[%swap3A_297], %select_n3A_296 {strides = array<i32>} : memref<2560xf32, #tpu.memory_space<vmem>>, vector<16xf32>,
    }
    %scan3A_183 = arith.constant 160 : i32
    %dma_wait3A_184 = arith.constant 0 : i32
    %dma_wait3A_185 = tpu.memref_slice %arg3[%add3A_144, %dma_wait3A_184] : memref<8192x512xf32, #tpu.memory_space<hbm>> -> memref<64x512xf32, #tpu.memory_space<hbm>>
    %dma_wait3A_186 = arith.constant 0 : i32
    %dma_wait3A_187 = tpu.memref_slice %arg3[%add3A_144, %dma_wait3A_186] : memref<8192x512xf32, #tpu.memory_space<hbm>> -> memref<64x512xf32, #tpu.memory_space<hbm>>
    tpu.wait_dma2 semaphore(%arg16 : memref<!tpu.dma_semaphore, #tpu.memory_space<semaphore_mem>>) src(%dma_wait3A_187 : memref<64x512xf32, #tpu.memory_space<hbm>>) dst(%arg7 : memref<64x512xf32, #tpu.memory_space<vmem>>)
    %mul3A_188 = arith.constant 256 : i32
    %mul3A_189 = arith.muli %mul3A_188, %arg0 : i32
    %add3A_190 = arith.constant 128 : i32
    %add3A_191 = arith.addi %mul3A_189, %add3A_190 : i32
    %scan3A_192 = arith.constant 0 : i32
    %scan3A_193 = arith.constant 0 : i32
    %scan3A_194 = arith.constant 160 : i32
    %scan3A_195 = arith.addi %scan3A_193, %scan3A_194 : i32
    %scan3A_196 = arith.constant 1 : i32
    scf.for %scan3A_255 = %scan3A_193 to %scan3A_195 step %scan3A_196  : i32 {
      %mul3A_256 = arith.constant 1 : i32
      %mul3A_257 = arith.muli %scan3A_255, %mul3A_256 : i32
      %add3A_258 = arith.constant 0 : i32
      %add3A_259 = arith.addi %mul3A_257, %add3A_258 : i32
      %mul3A_260 = arith.constant 16 : i32
      %mul3A_261 = arith.muli %add3A_259, %mul3A_260 : i32
      %get3A = arith.index_cast %mul3A_261 : i32 to index
      %get3A_262 = tpu.vector_load %arg10[%get3A] {strides = array<i32>} : memref<2560xi32, #tpu.memory_space<vmem>>, vector<16xi32>,
      %shift_right_arithmetic3A = arith.constant 9 : i32
      %shift_right_arithmetic3A_263 = vector.broadcast %shift_right_arithmetic3A : i32 to vector<16xi32>
      %shift_right_arithmetic3A_264 = arith.shrsi %get3A_262, %shift_right_arithmetic3A_263 : vector<16xi32>
      %sub3A = vector.broadcast %add3A_191 : i32 to vector<16xi32>
      %sub3A_265 = arith.subi %shift_right_arithmetic3A_264, %sub3A : vector<16xi32>
      %bitcast3A = vector.bitcast %sub3A_265 : vector<16xi32> to vector<16xi32>
      %lt3A = arith.constant 64 : i32
      %lt3A_266 = vector.broadcast %lt3A : i32 to vector<16xi32>
      %lt3A_267 = arith.cmpi ult, %bitcast3A, %lt3A_266 : vector<16xi32>
      %and3A = arith.constant 63 : i32
      %and3A_268 = vector.broadcast %and3A : i32 to vector<16xi32>
      %and3A_269 = arith.andi %sub3A_265, %and3A_268 : vector<16xi32>
      %and3A_270 = arith.constant 511 : i32
      %and3A_271 = vector.broadcast %and3A_270 : i32 to vector<16xi32>
      %and3A_272 = arith.andi %get3A_262, %and3A_271 : vector<16xi32>
      %gather3A = tpu.vector_load_idx %arg7[%and3A_269, %and3A_272] masked %lt3A_267 : memref<64x512xf32, #tpu.memory_space<vmem>>[vector<16xi32>, vector<16xi32>], vector<16xf32>, vector<16xi1>
      %get3A_273 = arith.index_cast %mul3A_261 : i32 to index
      %get3A_274 = tpu.vector_load %arg14[%get3A_273] {strides = array<i32>} : memref<2560xf32, #tpu.memory_space<vmem>>, vector<16xf32>,
      %select_n3A = arith.select %lt3A_267, %gather3A, %get3A_274 : vector<16xi1>, vector<16xf32>
      %swap3A = arith.index_cast %mul3A_261 : i32 to index
      %swap3A_275 = tpu.vector_load %arg14[%swap3A] {strides = array<i32>} : memref<2560xf32, #tpu.memory_space<vmem>>, vector<16xf32>,
      tpu.vector_store %arg14[%swap3A], %select_n3A {strides = array<i32>} : memref<2560xf32, #tpu.memory_space<vmem>>, vector<16xf32>,
      %get3A_276 = arith.index_cast %mul3A_261 : i32 to index
      %get3A_277 = tpu.vector_load %arg11[%get3A_276] {strides = array<i32>} : memref<2560xi32, #tpu.memory_space<vmem>>, vector<16xi32>,
      %shift_right_arithmetic3A_278 = arith.constant 9 : i32
      %shift_right_arithmetic3A_279 = vector.broadcast %shift_right_arithmetic3A_278 : i32 to vector<16xi32>
      %shift_right_arithmetic3A_280 = arith.shrsi %get3A_277, %shift_right_arithmetic3A_279 : vector<16xi32>
      %sub3A_281 = vector.broadcast %add3A_191 : i32 to vector<16xi32>
      %sub3A_282 = arith.subi %shift_right_arithmetic3A_280, %sub3A_281 : vector<16xi32>
      %bitcast3A_283 = vector.bitcast %sub3A_282 : vector<16xi32> to vector<16xi32>
      %lt3A_284 = arith.constant 64 : i32
      %lt3A_285 = vector.broadcast %lt3A_284 : i32 to vector<16xi32>
      %lt3A_286 = arith.cmpi ult, %bitcast3A_283, %lt3A_285 : vector<16xi32>
      %and3A_287 = arith.constant 63 : i32
      %and3A_288 = vector.broadcast %and3A_287 : i32 to vector<16xi32>
      %and3A_289 = arith.andi %sub3A_282, %and3A_288 : vector<16xi32>
      %and3A_290 = arith.constant 511 : i32
      %and3A_291 = vector.broadcast %and3A_290 : i32 to vector<16xi32>
      %and3A_292 = arith.andi %get3A_277, %and3A_291 : vector<16xi32>
      %gather3A_293 = tpu.vector_load_idx %arg7[%and3A_289, %and3A_292] masked %lt3A_286 : memref<64x512xf32, #tpu.memory_space<vmem>>[vector<16xi32>, vector<16xi32>], vector<16xf32>, vector<16xi1>
      %get3A_294 = arith.index_cast %mul3A_261 : i32 to index
      %get3A_295 = tpu.vector_load %arg15[%get3A_294] {strides = array<i32>} : memref<2560xf32, #tpu.memory_space<vmem>>, vector<16xf32>,
      %select_n3A_296 = arith.select %lt3A_286, %gather3A_293, %get3A_295 : vector<16xi1>, vector<16xf32>
      %swap3A_297 = arith.index_cast %mul3A_261 : i32 to index
      %swap3A_298 = tpu.vector_load %arg15[%swap3A_297] {strides = array<i32>} : memref<2560xf32, #tpu.memory_space<vmem>>, vector<16xf32>,
      tpu.vector_store %arg15[%swap3A_297], %select_n3A_296 {strides = array<i32>} : memref<2560xf32, #tpu.memory_space<vmem>>, vector<16xf32>,
    }
    %scan3A_197 = arith.constant 160 : i32
    %dma_wait3A_198 = arith.constant 0 : i32
    %dma_wait3A_199 = tpu.memref_slice %arg3[%add3A_169, %dma_wait3A_198] : memref<8192x512xf32, #tpu.memory_space<hbm>> -> memref<64x512xf32, #tpu.memory_space<hbm>>
    %dma_wait3A_200 = arith.constant 0 : i32
    %dma_wait3A_201 = tpu.memref_slice %arg3[%add3A_169, %dma_wait3A_200] : memref<8192x512xf32, #tpu.memory_space<hbm>> -> memref<64x512xf32, #tpu.memory_space<hbm>>
    tpu.wait_dma2 semaphore(%arg17 : memref<!tpu.dma_semaphore, #tpu.memory_space<semaphore_mem>>) src(%dma_wait3A_201 : memref<64x512xf32, #tpu.memory_space<hbm>>) dst(%arg8 : memref<64x512xf32, #tpu.memory_space<vmem>>)
    %mul3A_202 = arith.constant 256 : i32
    %mul3A_203 = arith.muli %mul3A_202, %arg0 : i32
    %add3A_204 = arith.constant 192 : i32
    %add3A_205 = arith.addi %mul3A_203, %add3A_204 : i32
    %scan3A_206 = arith.constant 0 : i32
    %scan3A_207 = arith.constant 0 : i32
    %scan3A_208 = arith.constant 160 : i32
    %scan3A_209 = arith.addi %scan3A_207, %scan3A_208 : i32
    %scan3A_210 = arith.constant 1 : i32
    scf.for %scan3A_255 = %scan3A_207 to %scan3A_209 step %scan3A_210  : i32 {
      %mul3A_256 = arith.constant 1 : i32
      %mul3A_257 = arith.muli %scan3A_255, %mul3A_256 : i32
      %add3A_258 = arith.constant 0 : i32
      %add3A_259 = arith.addi %mul3A_257, %add3A_258 : i32
      %mul3A_260 = arith.constant 16 : i32
      %mul3A_261 = arith.muli %add3A_259, %mul3A_260 : i32
      %get3A = arith.index_cast %mul3A_261 : i32 to index
      %get3A_262 = tpu.vector_load %arg10[%get3A] {strides = array<i32>} : memref<2560xi32, #tpu.memory_space<vmem>>, vector<16xi32>,
      %shift_right_arithmetic3A = arith.constant 9 : i32
      %shift_right_arithmetic3A_263 = vector.broadcast %shift_right_arithmetic3A : i32 to vector<16xi32>
      %shift_right_arithmetic3A_264 = arith.shrsi %get3A_262, %shift_right_arithmetic3A_263 : vector<16xi32>
      %sub3A = vector.broadcast %add3A_205 : i32 to vector<16xi32>
      %sub3A_265 = arith.subi %shift_right_arithmetic3A_264, %sub3A : vector<16xi32>
      %bitcast3A = vector.bitcast %sub3A_265 : vector<16xi32> to vector<16xi32>
      %lt3A = arith.constant 64 : i32
      %lt3A_266 = vector.broadcast %lt3A : i32 to vector<16xi32>
      %lt3A_267 = arith.cmpi ult, %bitcast3A, %lt3A_266 : vector<16xi32>
      %and3A = arith.constant 63 : i32
      %and3A_268 = vector.broadcast %and3A : i32 to vector<16xi32>
      %and3A_269 = arith.andi %sub3A_265, %and3A_268 : vector<16xi32>
      %and3A_270 = arith.constant 511 : i32
      %and3A_271 = vector.broadcast %and3A_270 : i32 to vector<16xi32>
      %and3A_272 = arith.andi %get3A_262, %and3A_271 : vector<16xi32>
      %gather3A = tpu.vector_load_idx %arg8[%and3A_269, %and3A_272] masked %lt3A_267 : memref<64x512xf32, #tpu.memory_space<vmem>>[vector<16xi32>, vector<16xi32>], vector<16xf32>, vector<16xi1>
      %get3A_273 = arith.index_cast %mul3A_261 : i32 to index
      %get3A_274 = tpu.vector_load %arg14[%get3A_273] {strides = array<i32>} : memref<2560xf32, #tpu.memory_space<vmem>>, vector<16xf32>,
      %select_n3A = arith.select %lt3A_267, %gather3A, %get3A_274 : vector<16xi1>, vector<16xf32>
      %swap3A = arith.index_cast %mul3A_261 : i32 to index
      %swap3A_275 = tpu.vector_load %arg14[%swap3A] {strides = array<i32>} : memref<2560xf32, #tpu.memory_space<vmem>>, vector<16xf32>,
      tpu.vector_store %arg14[%swap3A], %select_n3A {strides = array<i32>} : memref<2560xf32, #tpu.memory_space<vmem>>, vector<16xf32>,
      %get3A_276 = arith.index_cast %mul3A_261 : i32 to index
      %get3A_277 = tpu.vector_load %arg11[%get3A_276] {strides = array<i32>} : memref<2560xi32, #tpu.memory_space<vmem>>, vector<16xi32>,
      %shift_right_arithmetic3A_278 = arith.constant 9 : i32
      %shift_right_arithmetic3A_279 = vector.broadcast %shift_right_arithmetic3A_278 : i32 to vector<16xi32>
      %shift_right_arithmetic3A_280 = arith.shrsi %get3A_277, %shift_right_arithmetic3A_279 : vector<16xi32>
      %sub3A_281 = vector.broadcast %add3A_205 : i32 to vector<16xi32>
      %sub3A_282 = arith.subi %shift_right_arithmetic3A_280, %sub3A_281 : vector<16xi32>
      %bitcast3A_283 = vector.bitcast %sub3A_282 : vector<16xi32> to vector<16xi32>
      %lt3A_284 = arith.constant 64 : i32
      %lt3A_285 = vector.broadcast %lt3A_284 : i32 to vector<16xi32>
      %lt3A_286 = arith.cmpi ult, %bitcast3A_283, %lt3A_285 : vector<16xi32>
      %and3A_287 = arith.constant 63 : i32
      %and3A_288 = vector.broadcast %and3A_287 : i32 to vector<16xi32>
      %and3A_289 = arith.andi %sub3A_282, %and3A_288 : vector<16xi32>
      %and3A_290 = arith.constant 511 : i32
      %and3A_291 = vector.broadcast %and3A_290 : i32 to vector<16xi32>
      %and3A_292 = arith.andi %get3A_277, %and3A_291 : vector<16xi32>
      %gather3A_293 = tpu.vector_load_idx %arg8[%and3A_289, %and3A_292] masked %lt3A_286 : memref<64x512xf32, #tpu.memory_space<vmem>>[vector<16xi32>, vector<16xi32>], vector<16xf32>, vector<16xi1>
      %get3A_294 = arith.index_cast %mul3A_261 : i32 to index
      %get3A_295 = tpu.vector_load %arg15[%get3A_294] {strides = array<i32>} : memref<2560xf32, #tpu.memory_space<vmem>>, vector<16xf32>,
      %select_n3A_296 = arith.select %lt3A_286, %gather3A_293, %get3A_295 : vector<16xi1>, vector<16xf32>
      %swap3A_297 = arith.index_cast %mul3A_261 : i32 to index
      %swap3A_298 = tpu.vector_load %arg15[%swap3A_297] {strides = array<i32>} : memref<2560xf32, #tpu.memory_space<vmem>>, vector<16xf32>,
      tpu.vector_store %arg15[%swap3A_297], %select_n3A_296 {strides = array<i32>} : memref<2560xf32, #tpu.memory_space<vmem>>, vector<16xf32>,
    }
    %scan3A_211 = arith.constant 160 : i32
    %mul3A_212 = arith.constant 16 : i32
    %mul3A_213 = arith.muli %arg0, %mul3A_212 : i32
    %add3A_214 = arith.addi %mul3A_213, %arg1 : i32
    %add3A_215 = arith.constant 64 : i32
    %add3A_216 = arith.addi %add3A_215, %add3A_214 : i32
    %dma_start3A_217 = arith.constant 0 : i32
    %dma_start3A_218 = tpu.memref_slice %arg6[%add3A_216, %dma_start3A_217] : memref<128x2560xf32, #tpu.memory_space<hbm>> -> memref<1x2560xf32, #tpu.memory_space<hbm>>
    %dma_start3A_219 = tpu.memref_squeeze %dma_start3A_218 : memref<1x2560xf32, #tpu.memory_space<hbm>> -> memref<2560xf32, #tpu.memory_space<hbm>>
    %dma_start3A_220 = arith.constant 0 : i32
    %dma_start3A_221 = tpu.memref_slice %arg6[%add3A_216, %dma_start3A_220] : memref<128x2560xf32, #tpu.memory_space<hbm>> -> memref<1x2560xf32, #tpu.memory_space<hbm>>
    %dma_start3A_222 = tpu.memref_squeeze %dma_start3A_221 : memref<1x2560xf32, #tpu.memory_space<hbm>> -> memref<2560xf32, #tpu.memory_space<hbm>>
    tpu.enqueue_dma source(%arg14 : memref<2560xf32, #tpu.memory_space<vmem>>) target(%dma_start3A_222 : memref<2560xf32, #tpu.memory_space<hbm>>) target_semaphore(%arg19 : memref<!tpu.dma_semaphore, #tpu.memory_space<semaphore_mem>>)
    %add3A_223 = arith.constant 96 : i32
    %add3A_224 = arith.addi %add3A_223, %add3A_214 : i32
    %dma_start3A_225 = arith.constant 0 : i32
    %dma_start3A_226 = tpu.memref_slice %arg6[%add3A_224, %dma_start3A_225] : memref<128x2560xf32, #tpu.memory_space<hbm>> -> memref<1x2560xf32, #tpu.memory_space<hbm>>
    %dma_start3A_227 = tpu.memref_squeeze %dma_start3A_226 : memref<1x2560xf32, #tpu.memory_space<hbm>> -> memref<2560xf32, #tpu.memory_space<hbm>>
    %dma_start3A_228 = arith.constant 0 : i32
    %dma_start3A_229 = tpu.memref_slice %arg6[%add3A_224, %dma_start3A_228] : memref<128x2560xf32, #tpu.memory_space<hbm>> -> memref<1x2560xf32, #tpu.memory_space<hbm>>
    %dma_start3A_230 = tpu.memref_squeeze %dma_start3A_229 : memref<1x2560xf32, #tpu.memory_space<hbm>> -> memref<2560xf32, #tpu.memory_space<hbm>>
    tpu.enqueue_dma source(%arg15 : memref<2560xf32, #tpu.memory_space<vmem>>) target(%dma_start3A_230 : memref<2560xf32, #tpu.memory_space<hbm>>) target_semaphore(%arg19 : memref<!tpu.dma_semaphore, #tpu.memory_space<semaphore_mem>>)
    %dma_wait3A_231 = arith.constant 0 : i32
    %dma_wait3A_232 = tpu.memref_slice %arg6[%add3A_119, %dma_wait3A_231] : memref<128x2560xf32, #tpu.memory_space<hbm>> -> memref<1x2560xf32, #tpu.memory_space<hbm>>
    %dma_wait3A_233 = tpu.memref_squeeze %dma_wait3A_232 : memref<1x2560xf32, #tpu.memory_space<hbm>> -> memref<2560xf32, #tpu.memory_space<hbm>>
    %dma_wait3A_234 = arith.constant 0 : i32
    %dma_wait3A_235 = tpu.memref_slice %arg6[%add3A_119, %dma_wait3A_234] : memref<128x2560xf32, #tpu.memory_space<hbm>> -> memref<1x2560xf32, #tpu.memory_space<hbm>>
    %dma_wait3A_236 = tpu.memref_squeeze %dma_wait3A_235 : memref<1x2560xf32, #tpu.memory_space<hbm>> -> memref<2560xf32, #tpu.memory_space<hbm>>
    tpu.wait_dma2 semaphore(%arg19 : memref<!tpu.dma_semaphore, #tpu.memory_space<semaphore_mem>>) src(%arg12 : memref<2560xf32, #tpu.memory_space<vmem>>) dst(%dma_wait3A_236 : memref<2560xf32, #tpu.memory_space<hbm>>)
    %dma_wait3A_237 = arith.constant 0 : i32
    %dma_wait3A_238 = tpu.memref_slice %arg6[%add3A_127, %dma_wait3A_237] : memref<128x2560xf32, #tpu.memory_space<hbm>> -> memref<1x2560xf32, #tpu.memory_space<hbm>>
    %dma_wait3A_239 = tpu.memref_squeeze %dma_wait3A_238 : memref<1x2560xf32, #tpu.memory_space<hbm>> -> memref<2560xf32, #tpu.memory_space<hbm>>
    %dma_wait3A_240 = arith.constant 0 : i32
    %dma_wait3A_241 = tpu.memref_slice %arg6[%add3A_127, %dma_wait3A_240] : memref<128x2560xf32, #tpu.memory_space<hbm>> -> memref<1x2560xf32, #tpu.memory_space<hbm>>
    %dma_wait3A_242 = tpu.memref_squeeze %dma_wait3A_241 : memref<1x2560xf32, #tpu.memory_space<hbm>> -> memref<2560xf32, #tpu.memory_space<hbm>>
    tpu.wait_dma2 semaphore(%arg19 : memref<!tpu.dma_semaphore, #tpu.memory_space<semaphore_mem>>) src(%arg13 : memref<2560xf32, #tpu.memory_space<vmem>>) dst(%dma_wait3A_242 : memref<2560xf32, #tpu.memory_space<hbm>>)
    %dma_wait3A_243 = arith.constant 0 : i32
    %dma_wait3A_244 = tpu.memref_slice %arg6[%add3A_216, %dma_wait3A_243] : memref<128x2560xf32, #tpu.memory_space<hbm>> -> memref<1x2560xf32, #tpu.memory_space<hbm>>
    %dma_wait3A_245 = tpu.memref_squeeze %dma_wait3A_244 : memref<1x2560xf32, #tpu.memory_space<hbm>> -> memref<2560xf32, #tpu.memory_space<hbm>>
    %dma_wait3A_246 = arith.constant 0 : i32
    %dma_wait3A_247 = tpu.memref_slice %arg6[%add3A_216, %dma_wait3A_246] : memref<128x2560xf32, #tpu.memory_space<hbm>> -> memref<1x2560xf32, #tpu.memory_space<hbm>>
    %dma_wait3A_248 = tpu.memref_squeeze %dma_wait3A_247 : memref<1x2560xf32, #tpu.memory_space<hbm>> -> memref<2560xf32, #tpu.memory_space<hbm>>
    tpu.wait_dma2 semaphore(%arg19 : memref<!tpu.dma_semaphore, #tpu.memory_space<semaphore_mem>>) src(%arg14 : memref<2560xf32, #tpu.memory_space<vmem>>) dst(%dma_wait3A_248 : memref<2560xf32, #tpu.memory_space<hbm>>)
    %dma_wait3A_249 = arith.constant 0 : i32
    %dma_wait3A_250 = tpu.memref_slice %arg6[%add3A_224, %dma_wait3A_249] : memref<128x2560xf32, #tpu.memory_space<hbm>> -> memref<1x2560xf32, #tpu.memory_space<hbm>>
    %dma_wait3A_251 = tpu.memref_squeeze %dma_wait3A_250 : memref<1x2560xf32, #tpu.memory_space<hbm>> -> memref<2560xf32, #tpu.memory_space<hbm>>
    %dma_wait3A_252 = arith.constant 0 : i32
    %dma_wait3A_253 = tpu.memref_slice %arg6[%add3A_224, %dma_wait3A_252] : memref<128x2560xf32, #tpu.memory_space<hbm>> -> memref<1x2560xf32, #tpu.memory_space<hbm>>
    %dma_wait3A_254 = tpu.memref_squeeze %dma_wait3A_253 : memref<1x2560xf32, #tpu.memory_space<hbm>> -> memref<2560xf32, #tpu.memory_space<hbm>>
    tpu.wait_dma2 semaphore(%arg19 : memref<!tpu.dma_semaphore, #tpu.memory_space<semaphore_mem>>) src(%arg15 : memref<2560xf32, #tpu.memory_space<vmem>>) dst(%dma_wait3A_254 : memref<2560xf32, #tpu.memory_space<hbm>>)
    return
  }
}

module attributes {stable_mosaic.version = 14 : i64} {
  func.func @_loss_body(%arg0: memref<128x2560xf32, #tpu.memory_space<vmem>>, %arg1: memref<2560xi32, #tpu.memory_space<vmem>>, %arg2: memref<2560xi32, #tpu.memory_space<vmem>>, %arg3: memref<1x1xf32, #tpu.memory_space<smem>>) attributes {dimension_semantics = [], scalar_prefetch = 0 : i64, scratch_operands = 0 : i64, tpu.core_type = #tpu.core_type<tc>} {
    %get3A = arith.constant 0 : index
    %get3A_0 = vector.load %arg1[%get3A] : memref<2560xi32, #tpu.memory_space<vmem>>, vector<2560xi32>
    %shift_right_arithmetic3A = arith.constant 9 : i32
    %shift_right_arithmetic3A_1 = vector.broadcast %shift_right_arithmetic3A : i32 to vector<2560xi32>
    %shift_right_arithmetic3A_2 = arith.shrsi %get3A_0, %shift_right_arithmetic3A_1 : vector<2560xi32>
    %lt3A = arith.constant 256 : i32
    %lt3A_3 = vector.broadcast %lt3A : i32 to vector<2560xi32>
    %lt3A_4 = arith.cmpi slt, %shift_right_arithmetic3A_2, %lt3A_3 : vector<2560xi32>
    %broadcast_in_dim3A = vector.shape_cast %lt3A_4 : vector<2560xi1> to vector<1x2560xi1>
    %broadcast_in_dim3A_5 = vector.broadcast %broadcast_in_dim3A : vector<1x2560xi1> to vector<16x2560xi1>
    %get3A_6 = arith.constant 0 : index
    %get3A_7 = vector.load %arg2[%get3A_6] : memref<2560xi32, #tpu.memory_space<vmem>>, vector<2560xi32>
    %shift_right_arithmetic3A_8 = arith.constant 9 : i32
    %shift_right_arithmetic3A_9 = vector.broadcast %shift_right_arithmetic3A_8 : i32 to vector<2560xi32>
    %shift_right_arithmetic3A_10 = arith.shrsi %get3A_7, %shift_right_arithmetic3A_9 : vector<2560xi32>
    %lt3A_11 = arith.constant 256 : i32
    %lt3A_12 = vector.broadcast %lt3A_11 : i32 to vector<2560xi32>
    %lt3A_13 = arith.cmpi slt, %shift_right_arithmetic3A_10, %lt3A_12 : vector<2560xi32>
    %broadcast_in_dim3A_14 = vector.shape_cast %lt3A_13 : vector<2560xi1> to vector<1x2560xi1>
    %broadcast_in_dim3A_15 = vector.broadcast %broadcast_in_dim3A_14 : vector<1x2560xi1> to vector<16x2560xi1>
    %get3A_16 = arith.constant 0 : index
    %get3A_17 = arith.constant 0 : index
    %get3A_18 = vector.load %arg0[%get3A_16, %get3A_17] : memref<128x2560xf32, #tpu.memory_space<vmem>>, vector<16x2560xf32>
    %get3A_19 = arith.constant 16 : index
    %get3A_20 = arith.constant 0 : index
    %get3A_21 = vector.load %arg0[%get3A_19, %get3A_20] : memref<128x2560xf32, #tpu.memory_space<vmem>>, vector<16x2560xf32>
    %select_n3A = arith.select %broadcast_in_dim3A_5, %get3A_18, %get3A_21 : vector<16x2560xi1>, vector<16x2560xf32>
    %get3A_22 = arith.constant 32 : index
    %get3A_23 = arith.constant 0 : index
    %get3A_24 = vector.load %arg0[%get3A_22, %get3A_23] : memref<128x2560xf32, #tpu.memory_space<vmem>>, vector<16x2560xf32>
    %get3A_25 = arith.constant 48 : index
    %get3A_26 = arith.constant 0 : index
    %get3A_27 = vector.load %arg0[%get3A_25, %get3A_26] : memref<128x2560xf32, #tpu.memory_space<vmem>>, vector<16x2560xf32>
    %select_n3A_28 = arith.select %broadcast_in_dim3A_15, %get3A_24, %get3A_27 : vector<16x2560xi1>, vector<16x2560xf32>
    %get3A_29 = arith.constant 64 : index
    %get3A_30 = arith.constant 0 : index
    %get3A_31 = vector.load %arg0[%get3A_29, %get3A_30] : memref<128x2560xf32, #tpu.memory_space<vmem>>, vector<16x2560xf32>
    %get3A_32 = arith.constant 80 : index
    %get3A_33 = arith.constant 0 : index
    %get3A_34 = vector.load %arg0[%get3A_32, %get3A_33] : memref<128x2560xf32, #tpu.memory_space<vmem>>, vector<16x2560xf32>
    %select_n3A_35 = arith.select %broadcast_in_dim3A_5, %get3A_31, %get3A_34 : vector<16x2560xi1>, vector<16x2560xf32>
    %get3A_36 = arith.constant 96 : index
    %get3A_37 = arith.constant 0 : index
    %get3A_38 = vector.load %arg0[%get3A_36, %get3A_37] : memref<128x2560xf32, #tpu.memory_space<vmem>>, vector<16x2560xf32>
    %get3A_39 = arith.constant 112 : index
    %get3A_40 = arith.constant 0 : index
    %get3A_41 = vector.load %arg0[%get3A_39, %get3A_40] : memref<128x2560xf32, #tpu.memory_space<vmem>>, vector<16x2560xf32>
    %select_n3A_42 = arith.select %broadcast_in_dim3A_15, %get3A_38, %get3A_41 : vector<16x2560xi1>, vector<16x2560xf32>
    %sub3A = arith.subf %select_n3A, %select_n3A_28 : vector<16x2560xf32>
    %sub3A_43 = arith.subf %select_n3A_35, %select_n3A_42 : vector<16x2560xf32>
    %mul3A = arith.mulf %sub3A, %sub3A : vector<16x2560xf32>
    %neg3A = arith.constant 0.000000e+00 : f32
    %neg3A_44 = vector.broadcast %neg3A : f32 to vector<16x2560xf32>
    %neg3A_45 = arith.subf %neg3A_44, %sub3A : vector<16x2560xf32>
    %sign3A = tpu.bitcast %sub3A_43 : vector<16x2560xf32> -> vector<16x2560xi32>
    %sign3A_46 = arith.constant -2147483648 : i32
    %sign3A_47 = vector.broadcast %sign3A_46 : i32 to vector<16x2560xi32>
    %sign3A_48 = arith.andi %sign3A, %sign3A_47 : vector<16x2560xi32>
    %sign3A_49 = arith.constant 1065353216 : i32
    %sign3A_50 = vector.broadcast %sign3A_49 : i32 to vector<16x2560xi32>
    %sign3A_51 = arith.ori %sign3A_50, %sign3A_48 : vector<16x2560xi32>
    %sign3A_52 = tpu.bitcast %sign3A_51 : vector<16x2560xi32> -> vector<16x2560xf32>
    %sign3A_53 = math.absf %sub3A_43 : vector<16x2560xf32>
    %sign3A_54 = arith.constant 0.000000e+00 : f32
    %sign3A_55 = vector.broadcast %sign3A_54 : f32 to vector<16x2560xf32>
    %sign3A_56 = arith.cmpf ogt, %sign3A_53, %sign3A_55 : vector<16x2560xf32>
    %sign3A_57 = arith.select %sign3A_56, %sign3A_52, %sub3A_43 : vector<16x2560xi1>, vector<16x2560xf32>
    %mul3A_58 = arith.mulf %neg3A_45, %sign3A_57 : vector<16x2560xf32>
    %max3A = arith.constant 0.000000e+00 : f32
    %max3A_59 = vector.broadcast %max3A : f32 to vector<16x2560xf32>
    %max3A_60 = arith.maximumf %mul3A_58, %max3A_59 : vector<16x2560xf32>
    %abs3A = math.absf %sub3A_43 : vector<16x2560xf32>
    %lt3A_61 = arith.constant 1.000000e-01 : f32
    %lt3A_62 = vector.broadcast %lt3A_61 : f32 to vector<16x2560xf32>
    %lt3A_63 = arith.cmpf olt, %abs3A, %lt3A_62 : vector<16x2560xf32>
    %select_n3A_64 = arith.select %lt3A_63, %mul3A, %max3A_60 : vector<16x2560xi1>, vector<16x2560xf32>
    %iota3A = tpu.iota {dimensions = array<i32: 1>} : vector<16x2560xi32>
    %lt3A_65 = arith.constant 2500 : i32
    %lt3A_66 = vector.broadcast %lt3A_65 : i32 to vector<16x2560xi32>
    %lt3A_67 = arith.cmpi slt, %iota3A, %lt3A_66 : vector<16x2560xi32>
    %jit3A = arith.constant 0.000000e+00 : f32
    %broadcast_in_dim3A_68 = vector.broadcast %jit3A : f32 to vector<16x2560xf32>
    %select_n3A_69 = arith.select %lt3A_67, %select_n3A_64, %broadcast_in_dim3A_68 : vector<16x2560xi1>, vector<16x2560xf32>
    %reduce_sum3A = vector.shape_cast %select_n3A_69 : vector<16x2560xf32> to vector<1x16x2560xf32>
    %reduce_sum3A_70 = arith.constant dense<0.000000e+00> : vector<1xf32>
    %reduce_sum3A_71 = vector.multi_reduction <add>, %reduce_sum3A, %reduce_sum3A_70 [1, 2] : vector<1x16x2560xf32> to vector<1xf32>
    %reduce_sum3A_72 = vector.shape_cast %reduce_sum3A_71 : vector<1xf32> to vector<1x1x1xf32>
    %reduce_sum3A_73 = vector.extract %reduce_sum3A_72[0, 0, 0] : f32 from vector<1x1x1xf32>
    %mul3A_74 = arith.constant 2.500000e-05 : f32
    %mul3A_75 = arith.mulf %reduce_sum3A_73, %mul3A_74 : f32
    %swap3A = arith.constant 0 : index
    %swap3A_76 = arith.constant 0 : index
    %swap3A_77 = memref.load %arg3[%swap3A, %swap3A_76] : memref<1x1xf32, #tpu.memory_space<smem>>
    memref.store %mul3A_75, %arg3[%swap3A, %swap3A_76] : memref<1x1xf32, #tpu.memory_space<smem>>
    return
  }
}

</mosaic_0001>

<sc_bundles>
// kernel: kernel.4.cloned.1.call-start
scs
__scs_entry_jumppad:
0x0: {  	(pc) =	sbr.rel $0x88, $3  }
0x1: {  	(tag) =	ssettag $0x0;
	lr =	simm.s32 $0x1  }
0x2: {  	[smem:$0x3F9E] =	sst lr;
	_ =	strace $0xD0000000  }
0x3: {  	_ = 	snop  }
0x4: {  	_ = 	snop  }
0x5: {  	_ = 	snop  }
0x6: {  	_ = 	snop  }
0x7: {  	_ = 	snop  }
__scs_overlays_trampoline_lowered:
0x8: {  	[smem:$0x3FAD] =	sst s0  }
0x9: {  	[smem:$0x3FAE] =	sst s1  }
0xa: {  	[smem:$0x3FAF] =	sst s2  }
0xb: {  	[smem:$0x3FB0] =	sst s3  }
0xc: {  	[smem:$0x3FB1] =	sst s4  }
0xd: {  	[smem:$0x3FB2] =	sst s5  }
0xe: {  	[smem:$0x3FB3] =	sst s6  }
0xf: {  	[smem:$0x3FB4] =	sst s7  }
0x10: {  	[smem:$0x3FB5] =	sst s8  }
0x11: {  	[smem:$0x3FB6] =	sst s9;
	s0 =	simm.s32 @!p0 $0x0  }
0x12: {  	s1 =	sld [smem:$0x3F9C];
	s0 =	simm.s32 @p0 $0x1  }
0x13: {  	[smem:$0x3FB7] =	sst s0;
	s0 =	simm.s32 @!p1 $0x0  }
0x14: {  	s2 =	sld [smem:$0x3F9B];
	s0 =	simm.s32 @p1 $0x1  }
0x15: {  	[smem:$0x3FB8] =	sst s0;
	s0 =	simm.s32 @!p2 $0x0  }
0x16: {  	s3 =	sld [smem:$0x3FDB];
	s0 =	simm.s32 @p2 $0x1  }
0x17: {  	s4 =	simm.s32 $0x1BF5;
	[smem:$0x3FBA] =	sst s0  }
0x18: {  	s0 =	sld [smem:$0x3F9D];
	_ =	swait.ge [sflag:s4], $0x0  }
0x19: {  	s7 =	sld [smem:$0x3F9E]  }
0x1a: {  	s8 =	sadd.s32 $0xFFFFE003, lr  }
0x1b: {  	s9 =	sadd.s32 $0xFFFFFEF7, lr;
	s5 =	simm.s32 $0xFFFFFFFF;
	p2 =	slt.u32 s8, $0xFFFFF086  }
0x1c: {  	p1 =	slt.u32 s9, $0xF7A;
	s5 =	simm.s32 @!p2 $0x0  }
0x1d: {  	s5 =	simm.s32 @p1 $0x1;
	p0 =	seq.s32 s7, s2  }
0x1e: {  	s7 =	smul.u32 @!p0 $0xF7A, s2;
	p2 =	seq.s32 @!p0 s5, $0x0  }
0x1f: {  	s9 =	smul.u32 $0xF7A, s1;
	s8 =	simm.s32 @!p0 $0x1BF5;
	p2 =	por !p2, p0  }
0x20: {  	[sflag:s8] =	ssyncset.s32 @!p0 $0xFFFFF086;
	s6 =	sadd.s32 @!p0 s3, s7;
	s7 =	simm.s32 @!p0 $0x108  }
0x21: {  	s3 =	sadd.s32 s3, s9;
	s6 =	sadd.s32 @!p0 $0x88, s6;
	s7 =	simm.s32 @p2 $0x1082  }
0x22: {  	[simem:s7], [sflag:s8] =	dma.local @!p0 [hbm:s6], $0xF7A  }
0x23: {  	s9 =	sor.u32 $0xD0000000, s2;
	s6 =	simm.s32 $0x108;
	_ =	swait.ge @!p0 [sflag:s8], $0x0  }
0x24: {  	s3 =	sadd.s32 $0x88, s3;
	s6 =	simm.s32 @!p1 $0x1082;
	[sflag:s4] =	ssyncset.s32 $0xFFFFF086  }
0x25: {  	[simem:s6], [sflag:s4] =	dma.local [hbm:s3], $0xF7A  }
0x26: {  	[smem:$0x3F9E] =	sst s1;
	(tag) =	ssettag s2;
	_ =	strace s9  }
0x27: {  	s1 =	sld [smem:$0x3FAE]  }
0x28: {  	s2 =	sld [smem:$0x3FAF]  }
0x29: {  	s4 =	sld [smem:$0x3FB1]  }
0x2a: {  	p0 =	seq.s32 s5, $0x0;
	s5 =	sld [smem:$0x3FB2]  }
0x2b: {  	s6 =	sld [smem:$0x3FB3]  }
0x2c: {  	s7 =	sld [smem:$0x3FB4]  }
0x2d: {  	s3 =	simm.s32 $0x108;
	s8 =	sld [smem:$0x3FB5]  }
0x2e: {  	s3 =	simm.s32 @!p0 $0x1082;
	s9 =	sld [smem:$0x3FB6]  }
0x2f: {  	lr =	sadd.s32 s0, s3;
	s0 =	sld [smem:$0x3FAD]  }
0x30: {  	s3 =	sld [smem:$0x3FB0]  }
0x31: {  	[smem:$0x3FB9] =	sst s10  }
0x32: {  	s10 =	sld [smem:$0x3FB7];
	_ =	sdelay $0x3  }
0x33: {  	p0 =	seq.s32 s10, $0x1;
	s10 =	sld [smem:$0x3FB9];
	_ =	sdelay $0x3  }
0x34: {  	[smem:$0x3FB9] =	sst s10  }
0x35: {  	s10 =	sld [smem:$0x3FB8];
	_ =	sdelay $0x3  }
0x36: {  	p1 =	seq.s32 s10, $0x1;
	s10 =	sld [smem:$0x3FB9];
	_ =	sdelay $0x3  }
0x37: {  	[smem:$0x3FB9] =	sst s10  }
0x38: {  	s10 =	sld [smem:$0x3FBA]  }
0x39: {  	_ = 	snop;
	(pc) =	sbr.ind lr, $3  }
0x3a: {  	_ = 	snop  }
0x3b: {  	_ = 	snop  }
0x3c: {  	p2 =	seq.s32 s10, $0x1;
	s10 =	sld [smem:$0x3FB9]  }
0x3d: {  	_ =	shalt  }
0x3e: {  	_ =	shalt  }
0x3f: {  	_ =	shalt  }
0x40: {  	_ =	shalt  }
0x41: {  	_ =	shalt  }
0x42: {  	_ =	shalt  }
0x43: {  	_ =	shalt  }
0x44: {  	_ =	shalt  }
0x45: {  	_ =	shalt  }
0x46: {  	_ =	shalt  }
0x47: {  	_ =	shalt  }
0x48: {  	_ =	shalt  }
0x49: {  	_ =	shalt  }
0x4a: {  	_ =	shalt  }
0x4b: {  	_ =	shalt  }
0x4c: {  	_ =	shalt  }
0x4d: {  	_ =	shalt  }
0x4e: {  	_ =	shalt  }
0x4f: {  	_ =	shalt  }
0x50: {  	_ =	shalt  }
0x51: {  	_ =	shalt  }
0x52: {  	_ =	shalt  }
0x53: {  	_ =	shalt  }
0x54: {  	_ =	shalt  }
0x55: {  	_ =	shalt  }
0x56: {  	_ =	shalt  }
0x57: {  	_ =	shalt  }
0x58: {  	_ =	shalt  }
0x59: {  	_ =	shalt  }
0x5a: {  	_ =	shalt  }
0x5b: {  	_ =	shalt  }
0x5c: {  	_ =	shalt  }
0x5d: {  	_ =	shalt  }
0x5e: {  	_ =	shalt  }
0x5f: {  	_ =	shalt  }
0x60: {  	_ =	shalt  }
0x61: {  	_ =	shalt  }
0x62: {  	_ =	shalt  }
0x63: {  	_ =	shalt  }
0x64: {  	_ =	shalt  }
0x65: {  	_ =	shalt  }
0x66: {  	_ =	shalt  }
0x67: {  	_ =	shalt  }
0x68: {  	_ =	shalt  }
0x69: {  	_ =	shalt  }
0x6a: {  	_ =	shalt  }
0x6b: {  	_ =	shalt  }
0x6c: {  	_ =	shalt  }
0x6d: {  	_ =	shalt  }
0x6e: {  	_ =	shalt  }
0x6f: {  	_ =	shalt  }
0x70: {  	_ =	shalt  }
0x71: {  	_ =	shalt  }
0x72: {  	_ =	shalt  }
0x73: {  	_ =	shalt  }
0x74: {  	_ =	shalt  }
0x75: {  	_ =	shalt  }
0x76: {  	_ =	shalt  }
0x77: {  	_ =	shalt  }
0x78: {  	_ =	shalt  }
0x79: {  	_ =	shalt  }
0x7a: {  	_ =	shalt  }
0x7b: {  	_ =	shalt  }
0x7c: {  	_ =	shalt  }
0x7d: {  	_ =	shalt  }
0x7e: {  	_ =	shalt  }
0x7f: {  	_ =	shalt  }
0x80: {  	_ =	shalt  }
0x81: {  	_ =	shalt  }
0x82: {  	_ =	shalt  }
0x83: {  	_ =	shalt  }
0x84: {  	_ =	shalt  }
0x85: {  	_ =	shalt  }
0x86: {  	_ =	shalt  }
0x87: {  	_ =	shalt  }
.Lfunc_end0:
.L_simem_size_0:
called_computation_lowered:
.L_overlay_start_0:
0x88: {  	s2 =	sld [smem:$0x3FD9]  }
0x89: {  	s3 =	sld [smem:$0x3FFE];
	_ =	sdelay $0x1  }
0x8a: {  	s1 =	srdreg.scid  }
0x8b: {  	s0 =	sand.u32 $0x1, s1  }
0x8c: {  	s17 =	sshll.u32 s0, $0xA;
	s2 =	sadd.s32 s3, s2  }
0x8d: {  	s2 =	sadd.s32 s2, s17  }
0x8e: {  	[smem:$0x3FC5] =	sst s2  }
0x8f: {  	_ = 	snop  }
0x90: {  	s2 =	sld [smem:$0x3FC9]  }
0x91: {  	s18 =	sld [smem:$0x3FC8];
	(tm) =	ssettm $0x1  }
0x92: {  	s4 =	sld [smem:$0x3FFB];
	_ =	sdelay $0x3  }
0x93: {  	_ =	strace s4  }
0x94: {  	s4 =	sld [smem:$0x3FFC];
	_ =	sdelay $0x3  }
0x95: {  	_ =	strace s4  }
0x96: {  	s4 =	sld [smem:$0x3FFD];
	_ =	sdelay $0x3  }
0x97: {  	_ =	strace s4  }
0x98: {  	_ =	strace $0x8FFFFFFF  }
0x99: {  	s19 =	sld [smem:$0x3FDB];
	_ =	sdelay $0x1  }
0x9a: {  	s5 =	simm.s32 $_scs_section_size  }
0x9b: {  	s6 =	simm.s32 $_size__tile_overlayer_lowered;
	s7 =	simm.s32 $_tile_overlayer_lowered  }
0x9c: {  	s22 =	simm.s32 $0x1BFF;
	s21 =	sshll.u32 s7, $0x1;
	s4 =	sadd.s32 s5, s19  }
0x9d: {  	s8 =	simm.s32 $0x0;
	s20 =	sshll.u32 s6, $0x1;
	s6 =	sadd.s32 s21, s4  }
0x9e: {  	[timem:s8], [sflag:s22] =	dma.local [hbm:s6], s20  }
0x9f: {  	_ =	swait.ge [sflag:s22], s20  }
0xa0: {  	s5 =	ssub.s32 $0x0, s20;
	[sflag:s22] =	ssyncset.done $0x0  }
0xa1: {  	[sflag:s22] =	ssyncadd.s32 s5;
	_ =	sdelay $0x1  }
0xa2: {  	s23 =	simm.s32 $0x1B8B  }
0xa3: {  	_ =	swait.ge [sflag:s23], $0x1  }
0xa4: {  	[sflag:s23] =	ssyncset.done $0x0  }
0xa5: {  	s25 =	simm.s32 $0x1B8E;
	s24 =	sld [smem:$0x3FFE];
	[sflag:s23] =	ssyncadd.s32 $0xFFFFFFFF  }
0xa6: {  	s26 =	simm.s32 $execute0_lowered;
	[smem:$0x3FD2] =	sst s25  }
0xa7: {  	s6 =	sshll.u32 s26, $0x1;
	_ =	strace $0x80000046;
	[dreg:$0x1] =	wrdreg $0xFFFFFFFF  }
0xa8: {  	s28 =	simm.s32 $_size_execute0_lowered;
	s4 =	sadd.s32 s4, s6;
	[dreg:$0x0] =	wrdreg $0x0  }
0xa9: {  	s6 =	sshll.u32 s28, $0x1;
	[dreg:$0x2] =	wrdreg s4  }
0xaa: {  	[dreg:$0x3] =	wrdreg s6  }
0xab: {  	[dreg:$0x4] =	wrdreg $0xC0  }
0xac: {  	_ =	task [dreg:s8], $0x5FFFF  }
0xad: {  	[dreg:$0x1] =	wrdreg $0xFFFFFFFF  }
0xae: {  	[dreg:$0x0] =	wrdreg $0x60  }
0xaf: {  	[dreg:$0x2] =	wrdreg s2  }
0xb0: {  	[dreg:$0x3] =	wrdreg s18  }
0xb1: {  	[dreg:$0x4] =	wrdreg s24  }
0xb2: {  	[dreg:$0x5] =	wrdreg $0x9  }
0xb3: {  	_ =	task.clear_ibuf [dreg:s8], $0x6FFFF;
	_ =	strace $0x90000046  }
0xb4: {  	s29 =	simm.s32 $0x9;
	_ =	strace $0x80000048  }
0xb5: {  	_ =	swait.ge [sflag:s29], $0x1  }
0xb6: {  	[sflag:s29] =	ssyncadd.s32 $0xFFFFFFFF  }
0xb7: {  	_ =	strace $0x90000048  }
0xb8: {  	_ =	sfence  }
0xb9: {  	s30 =	sld [smem:$0x0];
	_ =	sdelay $0x2  }
0xba: {  	s31 =	sshll.u32 s1, $0xD;
	s1 =	sshrl.u32 s1, $0x2  }
0xbb: {  	s3 =	sand.u32 $0x4000, s31;
	s1 =	sadd.s32 s1, s30  }
0xbc: {  	s0 =	sor.u32 s3, s0;
	s1 =	sshll.u32 s1, $0x11  }
0xbd: {  	s0 =	sor.u32 s1, s0  }
0xbe: {  	s0 =	sadd.s32 $0x8F2B, s0  }
0xbf: {  	[sflag:s0] =	ssyncadd.remote.s32 $0x1  }
0xc0: {  	_ =	sfence.sel $0xFFFF  }
0xc1: {  	[dreg:$0x0] =	wrdreg $0xFFFFFFFF;
	(pc) =	sbr.abs _section_cstart, $3  }
0xc2: {  	[dreg:$0x1] =	wrdreg $0xFFFFFFFF  }
0xc3: {  	_ =	task.clear_ibuf [dreg:s8], $0x2FFFF;
	_ =	strace $0x9FFFFFFF  }
0xc4: {  	(tm) =	ssettm $0x7FFFFFFF  }
0xc5: {  	_ =	shalt  }
tec
execute0_lowered:
.L_overlay_start_1:
0x0: {  	(tag) =	ssettag $0x1  }
0x1: {  	s0 =	rddreg [dreg:$0x0]  }
0x2: {  	s2 =	rddreg [dreg:$0x1]  }
0x3: {  	s5 =	rddreg [dreg:$0x2];
	s1 =	simm.s32 $0x0  }
0x4: {  	s3 =	srdreg.scid;
	s8 =	stileid.u32;
	s18 =	simm.s32 $0x8000  }
0x5: {  	s28 =	simm.s32 $0x400;
	s31 =	simm.s32 $0x1A800;
	[smem:$0x7FF] =	sst s1  }
0x6: {  	s6 =	sand.u32 $0x1, s3;
	s3 =	sadd.s32 $0x400, s5;
	s4 =	sadd.s32 $0x200, s5  }
0x7: {  	s16 =	sadd.s32 $0x600, s5;
	s21 =	sshll.u32 s8, $0xF;
	s12 =	sshll.u32 s8, $0x7  }
0x8: {  	_ =	strace $0x80000047;
	s7 =	ssub.s32 $0x2, s6;
	s22 =	sshll.u32 s6, $0xE  }
0x9: {  	s19 =	sshll.u32 s6, $0x8;
	s6 =	sshll.u32 s6, $0x4;
	s24 =	sand.u32 $0x380, s12  }
0xa: {  	s20 =	sshrl.u32 s7, $0x1;
	s9 =	sor.u32 s22, s21;
	s23 =	sor.u32 s8, s6  }
0xb: {  	s21 =	sor.u32 $0x40, s19;
	s29 =	sor.u32 $0x80, s19;
	s30 =	sor.u32 $0xC0, s19  }
0xc: {  	s22 =	simm.s32 $0x1;
	v0 =	vmov s19;
	s19 =	simm.s32 $0x0;
	s17 =	ssub.s32 s7, s20  }
0xd: {  	s5 =	sadd.s32 s0, s9;
	s10 =	sor.u32 $0x1000, s9;
	s13 =	sor.u32 $0x2000, s9  }
0xe: {  	s7 =	sshrl.u32 s23, $0x3;
	s14 =	sor.u32 $0x3000, s9;
	s9 =	sadd.s32 s2, s9  }
0xf: {  	s20 =	simm.s32 $0x5;
	s23 =	simm.s32 $0x10000;
	s6 =	sadd.s32 s0, s10  }
0x10: {  	s11 =	smul.u32 $0x5000, s7;
	s7 =	sadd.s32 s0, s13;
	s8 =	sadd.s32 s0, s14  }
0x11: {  	s10 =	sadd.s32 s2, s10;
	s13 =	sadd.s32 s2, s13;
	s14 =	sadd.s32 s2, s14  }
0x12: {  	s17 =	smax.u32 s17, $0x1;
	s2 =	simm.s32 $0x4;
	s0 =	sor.u32 s24, s11  }
0x13: {  	s24 =	simm.s32 $0x2;
	s11 =	sadd.s32 $0x14000, s0;
	s25 =	sshrl.u32 s0, $0x3  }
0x14: {  	s26 =	sadd.s32 $0x28000, s0;
	s0 =	sadd.s32 $0x3C000, s0;
	s15 =	sshrl.u32 s11, $0x3  }
0x15: {  	s11 =	sadd.s32 s16, s25;
	s0 =	sshrl.u32 s0, $0x3;
	s25 =	simm.s32 $0x3  }
0x16: {  	s12 =	sadd.s32 s16, s15;
	s15 =	sshrl.u32 s26, $0x3;
	s26 =	simm.s32 $0x80  }
0x17: {  	v1 =	vmov s21;
	v2 =	vmov s29;
	v3 =	vmov s30;
	s15 =	sadd.s32 s16, s15;
	s16 =	sadd.s32 s16, s0;
	s0 =	simm.s32 $0x1B200  }
.LBB2_1:
0x18: {  	[tilespmem:s1], [sflag:$0x1] =	stream.linear.gather [hbm4b:s5+s1], $0x8000, $0x38;
	[tilespmem:$0x1BC00] =	vst v63  }
0x19: {  	_ = 	snop  }
0x1a: {  	[tilespmem:s18], [sflag:$0x2] =	stream.linear.gather [hbm4b:s6+s1], $0x8000, $0x38;
	[tilespmem:$0x1BC00] =	vst v63  }
0x1b: {  	s21 =	simm.s32 $0x18000  }
0x1c: {  	[tilespmem:s21], [sflag:$0x5] =	stream.linear.gather [hbm4b:s3+s1], $0xA00, $0x38;
	[tilespmem:$0x1BC00] =	vst v63  }
0x1d: {  	_ =	swait.ge [sflag:s20], $0xA00  }
0x1e: {  	[sflag:s20] =	ssyncset.done $0x0  }
0x1f: {  	s21 =	simm.s32 $0x18A00;
	[sflag:s20] =	ssyncadd.s32 $0xFFFFF600  }
0x20: {  	[tilespmem:s21], [sflag:$0x5] =	stream.linear.gather [hbm4b:s4+s1], $0xA00, $0x38;
	[tilespmem:$0x1BC00] =	vst v63  }
0x21: {  	_ =	swait.ge [sflag:s20], $0xA00  }
0x22: {  	[sflag:s20] =	ssyncset.done $0x0  }
0x23: {  	[sflag:s20] =	ssyncadd.s32 $0xFFFFF600  }
0x24: {  	_ =	swait.ge [sflag:s22], $0x8000  }
0x25: {  	[sflag:s22] =	ssyncset.done $0x0  }
0x26: {  	s21 =	simm.s32 $0x0;
	[sflag:s22] =	ssyncadd.s32 $0xFFFF8000  }
0x27: {  	[tilespmem:s23], [sflag:$0x3] =	stream.linear.gather [hbm4b:s7+s1], $0x8000, $0x38;
	[tilespmem:$0x1BC00] =	vst v63  }
0x28: {  	v4 =	vld [tilespmem:s21+$0x18000];
	_ =	sdelay $0x4  }
0x29: {  	v5 =	vshra.s32 v4, $0x9;
	v6 =	vshll.u32 v4, $0x3;
	v4 =	vand.u32 $0x707F, v4  }
0x2a: {  	v7 =	vsub.s32 v5, v0;
	v6 =	vand.u32 $0xC00, v6;
	v5 =	vshll.u32 v5, $0x7  }
0x2b: {  	vm0 =	vlt.u32 v7, $0x40;
	v5 =	vand.u32 $0x380, v5;
	v4 =	vor.u32 v6, v4  }
0x2c: {  	v6 =	vld [tilespmem:s21+$0x18A00];
	v4 =	vor.u32 v5, v4;
	_ =	sdelay $0x4  }
0x2d: {  	v5 =	vshra.s32 v6, $0x9;
	v7 =	vshll.u32 v6, $0x3;
	v8 =	vand.u32 $0x707F, v6;
	v4 =	vld.idx.msk [tilespmem:v4+s1+$0x0], vm0  }
0x2e: {  	v6 =	vsub.s32 v5, v0;
	v7 =	vand.u32 $0xC00, v7;
	v9 =	vshll.u32 v5, $0x7;
	v5 =	vld [tilespmem:s21+$0x19400]  }
0x2f: {  	s29 =	simm.s32 $0x10;
	s30 =	simm.s32 $0x80;
	vm1 =	vlt.u32 v6, $0x40;
	v6 =	vand.u32 $0x380, v9;
	v7 =	vor.u32 v7, v8  }
.LBB2_2:
0x30: {  	p0 =	sne.s32 s30, $0x27C0;
	v8 =	vld [tilespmem:s29+$0x18000];
	v6 =	vor.u32 v6, v7;
	_ =	sdelay $0x2  }
0x31: {  	v4 =	vsel vm0, v4, v5  }
0x32: {  	[tilespmem:s21+$0x19400] =	vst v4  }
0x33: {  	v4 =	vshra.s32 v8, $0x9;
	v5 =	vshll.u32 v8, $0x3;
	v7 =	vand.u32 $0x707F, v8;
	v6 =	vld.idx.msk [tilespmem:v6+s1+$0x0], vm1  }
0x34: {  	v8 =	vsub.s32 v4, v0;
	v5 =	vand.u32 $0xC00, v5;
	v4 =	vshll.u32 v4, $0x7;
	v9 =	vld [tilespmem:s21+$0x19E00]  }
0x35: {  	vm0 =	vlt.u32 v8, $0x40;
	v4 =	vand.u32 $0x380, v4;
	v5 =	vor.u32 v5, v7  }
0x36: {  	v4 =	vor.u32 v4, v5;
	v5 =	vld [tilespmem:s29+$0x18A00];
	_ =	sdelay $0x2  }
.Ltmp0:
0x37: {  	v6 =	vsel vm1, v6, v9;
	(pc) =	sbr.rel @p0 .LBB2_2-.Ltmp0, $4  }
0x38: {  	[tilespmem:s21+$0x19E00] =	vst v6;
	s21 =	smov.u32 s29  }
0x39: {  	v4 =	vld.idx.msk [tilespmem:v4+s1+$0x0], vm0;
	v6 =	vshra.s32 v5, $0x9;
	v7 =	vshll.u32 v5, $0x3;
	v8 =	vand.u32 $0x707F, v5  }
0x3a: {  	v5 =	vld [tilespmem:s21+$0x19400];
	v9 =	vsub.s32 v6, v0;
	v7 =	vand.u32 $0xC00, v7;
	v6 =	vshll.u32 v6, $0x7  }
0x3b: {  	s29 =	sshra.s32 s30, $0x2;
	s30 =	sadd.s32 $0x40, s30;
	vm1 =	vlt.u32 v9, $0x40;
	v6 =	vand.u32 $0x380, v6;
	v7 =	vor.u32 v7, v8  }
0x3c: {  	v8 =	vld [tilespmem:s29+$0x18000]  }
0x3d: {  	v6 =	vor.u32 v6, v7;
	_ =	sdelay $0x2  }
0x3e: {  	v4 =	vsel vm0, v4, v5  }
0x3f: {  	v9 =	vld [tilespmem:s21+$0x19E00];
	[tilespmem:s21+$0x19400] =	vst v4;
	v4 =	vshra.s32 v8, $0x9;
	v5 =	vshll.u32 v8, $0x3;
	v7 =	vand.u32 $0x707F, v8  }
0x40: {  	v6 =	vld.idx.msk [tilespmem:v6+s1+$0x0], vm1;
	v8 =	vsub.s32 v4, v0;
	v5 =	vand.u32 $0xC00, v5;
	v4 =	vshll.u32 v4, $0x7  }
0x41: {  	v4 =	vand.u32 $0x380, v4;
	v5 =	vor.u32 v5, v7  }
0x42: {  	vm0 =	vlt.u32 v8, $0x40;
	v4 =	vor.u32 v4, v5;
	v5 =	vld [tilespmem:s29+$0x18A00];
	_ =	sdelay $0x2  }
0x43: {  	v6 =	vsel vm1, v6, v9  }
0x44: {  	[tilespmem:s21+$0x19E00] =	vst v6  }
0x45: {  	v8 =	vld [tilespmem:s29+$0x19400];
	v6 =	vshra.s32 v5, $0x9;
	v7 =	vshll.u32 v5, $0x3;
	v5 =	vand.u32 $0x707F, v5  }
0x46: {  	v4 =	vld.idx.msk [tilespmem:v4+s1+$0x0], vm0;
	v62 =	vsub.s32 v6, v0;
	v7 =	vand.u32 $0xC00, v7;
	v6 =	vshll.u32 v6, $0x7  }
0x47: {  	vm1 =	vlt.u32 v62, $0x40;
	v6 =	vand.u32 $0x380, v6;
	v5 =	vor.u32 v7, v5  }
0x48: {  	v5 =	vor.u32 v6, v5;
	_ =	sdelay $0x2  }
0x49: {  	v4 =	vsel vm0, v4, v8  }
0x4a: {  	[tilespmem:s29+$0x19400] =	vst v4  }
0x4b: {  	v4 =	vld.idx.msk [tilespmem:v5+s1+$0x0], vm1  }
0x4c: {  	v5 =	vld [tilespmem:s29+$0x19E00];
	_ =	sdelay $0x4  }
0x4d: {  	v4 =	vsel vm1, v4, v5  }
0x4e: {  	[tilespmem:s29+$0x19E00] =	vst v4  }
0x4f: {  	_ =	swait.ge [sflag:s24], $0x8000  }
0x50: {  	[sflag:s24] =	ssyncset.done $0x0  }
0x51: {  	s21 =	simm.s32 $0x0;
	[sflag:s24] =	ssyncadd.s32 $0xFFFF8000  }
0x52: {  	[tilespmem:s21], [sflag:$0x1] =	stream.linear.gather [hbm4b:s8+s21], $0x8000, $0x38;
	[tilespmem:$0x1BC00] =	vst v63  }
0x53: {  	s21 =	simm.s32 $0x0  }
0x54: {  	v4 =	vld [tilespmem:s21+$0x18000];
	_ =	sdelay $0x4  }
0x55: {  	v5 =	vshra.s32 v4, $0x9;
	v6 =	vshll.u32 v4, $0x3;
	v4 =	vand.u32 $0x707F, v4  }
0x56: {  	v7 =	vsub.s32 v5, v1;
	v6 =	vand.u32 $0xC00, v6;
	v5 =	vshll.u32 v5, $0x7  }
0x57: {  	vm0 =	vlt.u32 v7, $0x40;
	v5 =	vand.u32 $0x380, v5;
	v4 =	vor.u32 v6, v4  }
0x58: {  	v6 =	vld [tilespmem:s21+$0x18A00];
	v4 =	vor.u32 v5, v4;
	_ =	sdelay $0x4  }
0x59: {  	v5 =	vshra.s32 v6, $0x9;
	v7 =	vshll.u32 v6, $0x3;
	v8 =	vand.u32 $0x707F, v6;
	v4 =	vld.idx.msk [tilespmem:v4+s18+$0x0], vm0  }
0x5a: {  	v6 =	vsub.s32 v5, v1;
	v7 =	vand.u32 $0xC00, v7;
	v63 =	vshll.u32 v5, $0x7;
	v5 =	vld [tilespmem:s21+$0x19400]  }
0x5b: {  	s30 =	simm.s32 $0x80;
	s29 =	simm.s32 $0x10;
	vm1 =	vlt.u32 v6, $0x40;
	v6 =	vand.u32 $0x380, v63;
	v7 =	vor.u32 v7, v8  }
.LBB2_4:
0x5c: {  	p0 =	sne.s32 s30, $0x27C0;
	v8 =	vld [tilespmem:s29+$0x18000];
	v6 =	vor.u32 v6, v7;
	_ =	sdelay $0x2  }
0x5d: {  	v4 =	vsel vm0, v4, v5  }
0x5e: {  	[tilespmem:s21+$0x19400] =	vst v4  }
0x5f: {  	v4 =	vshra.s32 v8, $0x9;
	v5 =	vshll.u32 v8, $0x3;
	v7 =	vand.u32 $0x707F, v8;
	v6 =	vld.idx.msk [tilespmem:v6+s18+$0x0], vm1  }
0x60: {  	v8 =	vsub.s32 v4, v1;
	v5 =	vand.u32 $0xC00, v5;
	v4 =	vshll.u32 v4, $0x7;
	v9 =	vld [tilespmem:s21+$0x19E00]  }
0x61: {  	vm0 =	vlt.u32 v8, $0x40;
	v4 =	vand.u32 $0x380, v4;
	v5 =	vor.u32 v5, v7  }
0x62: {  	v4 =	vor.u32 v4, v5;
	v5 =	vld [tilespmem:s29+$0x18A00];
	_ =	sdelay $0x2  }
.Ltmp1:
0x63: {  	v6 =	vsel vm1, v6, v9;
	(pc) =	sbr.rel @p0 .LBB2_4-.Ltmp1, $4  }
0x64: {  	[tilespmem:s21+$0x19E00] =	vst v6;
	s21 =	smov.u32 s29  }
0x65: {  	v4 =	vld.idx.msk [tilespmem:v4+s18+$0x0], vm0;
	v6 =	vshra.s32 v5, $0x9;
	v7 =	vshll.u32 v5, $0x3;
	v8 =	vand.u32 $0x707F, v5  }
0x66: {  	v5 =	vld [tilespmem:s21+$0x19400];
	v9 =	vsub.s32 v6, v1;
	v7 =	vand.u32 $0xC00, v7;
	v6 =	vshll.u32 v6, $0x7  }
0x67: {  	s29 =	sshra.s32 s30, $0x2;
	s30 =	sadd.s32 $0x40, s30;
	vm1 =	vlt.u32 v9, $0x40;
	v6 =	vand.u32 $0x380, v6;
	v7 =	vor.u32 v7, v8  }
0x68: {  	v8 =	vld [tilespmem:s29+$0x18000]  }
0x69: {  	v6 =	vor.u32 v6, v7;
	_ =	sdelay $0x2  }
0x6a: {  	v4 =	vsel vm0, v4, v5  }
0x6b: {  	v9 =	vld [tilespmem:s21+$0x19E00];
	[tilespmem:s21+$0x19400] =	vst v4;
	v4 =	vshra.s32 v8, $0x9;
	v5 =	vshll.u32 v8, $0x3;
	v7 =	vand.u32 $0x707F, v8  }
0x6c: {  	v6 =	vld.idx.msk [tilespmem:v6+s18+$0x0], vm1;
	v8 =	vsub.s32 v4, v1;
	v5 =	vand.u32 $0xC00, v5;
	v4 =	vshll.u32 v4, $0x7  }
0x6d: {  	v4 =	vand.u32 $0x380, v4;
	v5 =	vor.u32 v5, v7  }
0x6e: {  	vm0 =	vlt.u32 v8, $0x40;
	v4 =	vor.u32 v4, v5;
	v5 =	vld [tilespmem:s29+$0x18A00];
	_ =	sdelay $0x2  }
0x6f: {  	v6 =	vsel vm1, v6, v9  }
0x70: {  	[tilespmem:s21+$0x19E00] =	vst v6  }
0x71: {  	v8 =	vld [tilespmem:s29+$0x19400];
	v6 =	vshra.s32 v5, $0x9;
	v7 =	vshll.u32 v5, $0x3;
	v5 =	vand.u32 $0x707F, v5  }
0x72: {  	v4 =	vld.idx.msk [tilespmem:v4+s18+$0x0], vm0;
	v62 =	vsub.s32 v6, v1;
	v7 =	vand.u32 $0xC00, v7;
	v6 =	vshll.u32 v6, $0x7  }
0x73: {  	vm1 =	vlt.u32 v62, $0x40;
	v6 =	vand.u32 $0x380, v6;
	v5 =	vor.u32 v7, v5  }
0x74: {  	v5 =	vor.u32 v6, v5;
	_ =	sdelay $0x2  }
0x75: {  	v4 =	vsel vm0, v4, v8  }
0x76: {  	[tilespmem:s29+$0x19400] =	vst v4  }
0x77: {  	v4 =	vld.idx.msk [tilespmem:v5+s18+$0x0], vm1  }
0x78: {  	v5 =	vld [tilespmem:s29+$0x19E00];
	_ =	sdelay $0x4  }
0x79: {  	v4 =	vsel vm1, v4, v5  }
0x7a: {  	[tilespmem:s29+$0x19E00] =	vst v4  }
0x7b: {  	_ =	swait.ge [sflag:s25], $0x8000  }
0x7c: {  	[sflag:s25] =	ssyncset.done $0x0  }
0x7d: {  	s21 =	simm.s32 $0x0;
	[sflag:s25] =	ssyncadd.s32 $0xFFFF8000  }
0x7e: {  	[tilespmem:s18], [sflag:$0x2] =	stream.linear.gather [hbm4b:s9+s21], $0x8000, $0x38;
	[tilespmem:$0x1BC00] =	vst v63  }
0x7f: {  	s21 =	simm.s32 $0x0  }
0x80: {  	v4 =	vld [tilespmem:s21+$0x18000];
	_ =	sdelay $0x4  }
0x81: {  	v5 =	vshra.s32 v4, $0x9;
	v6 =	vshll.u32 v4, $0x3;
	v4 =	vand.u32 $0x707F, v4  }
0x82: {  	v7 =	vsub.s32 v5, v2;
	v6 =	vand.u32 $0xC00, v6;
	v5 =	vshll.u32 v5, $0x7  }
0x83: {  	vm0 =	vlt.u32 v7, $0x40;
	v5 =	vand.u32 $0x380, v5;
	v4 =	vor.u32 v6, v4  }
0x84: {  	v6 =	vld [tilespmem:s21+$0x18A00];
	v4 =	vor.u32 v5, v4;
	_ =	sdelay $0x4  }
0x85: {  	v5 =	vshra.s32 v6, $0x9;
	v7 =	vshll.u32 v6, $0x3;
	v8 =	vand.u32 $0x707F, v6;
	v4 =	vld.idx.msk [tilespmem:v4+s23+$0x0], vm0  }
0x86: {  	v6 =	vsub.s32 v5, v2;
	v7 =	vand.u32 $0xC00, v7;
	v63 =	vshll.u32 v5, $0x7;
	v5 =	vld [tilespmem:s21+$0x19400]  }
0x87: {  	s30 =	simm.s32 $0x80;
	s29 =	simm.s32 $0x10;
	vm1 =	vlt.u32 v6, $0x40;
	v6 =	vand.u32 $0x380, v63;
	v7 =	vor.u32 v7, v8  }
.LBB2_6:
0x88: {  	p0 =	sne.s32 s30, $0x27C0;
	v8 =	vld [tilespmem:s29+$0x18000];
	v6 =	vor.u32 v6, v7;
	_ =	sdelay $0x2  }
0x89: {  	v4 =	vsel vm0, v4, v5  }
0x8a: {  	[tilespmem:s21+$0x19400] =	vst v4  }
0x8b: {  	v4 =	vshra.s32 v8, $0x9;
	v5 =	vshll.u32 v8, $0x3;
	v7 =	vand.u32 $0x707F, v8;
	v6 =	vld.idx.msk [tilespmem:v6+s23+$0x0], vm1  }
0x8c: {  	v8 =	vsub.s32 v4, v2;
	v5 =	vand.u32 $0xC00, v5;
	v4 =	vshll.u32 v4, $0x7;
	v9 =	vld [tilespmem:s21+$0x19E00]  }
0x8d: {  	vm0 =	vlt.u32 v8, $0x40;
	v4 =	vand.u32 $0x380, v4;
	v5 =	vor.u32 v5, v7  }
0x8e: {  	v4 =	vor.u32 v4, v5;
	v5 =	vld [tilespmem:s29+$0x18A00];
	_ =	sdelay $0x2  }
.Ltmp2:
0x8f: {  	v6 =	vsel vm1, v6, v9;
	(pc) =	sbr.rel @p0 .LBB2_6-.Ltmp2, $4  }
0x90: {  	[tilespmem:s21+$0x19E00] =	vst v6;
	s21 =	smov.u32 s29  }
0x91: {  	v4 =	vld.idx.msk [tilespmem:v4+s23+$0x0], vm0;
	v6 =	vshra.s32 v5, $0x9;
	v7 =	vshll.u32 v5, $0x3;
	v8 =	vand.u32 $0x707F, v5  }
0x92: {  	v5 =	vld [tilespmem:s21+$0x19400];
	v9 =	vsub.s32 v6, v2;
	v7 =	vand.u32 $0xC00, v7;
	v6 =	vshll.u32 v6, $0x7  }
0x93: {  	s29 =	sshra.s32 s30, $0x2;
	s30 =	sadd.s32 $0x40, s30;
	vm1 =	vlt.u32 v9, $0x40;
	v6 =	vand.u32 $0x380, v6;
	v7 =	vor.u32 v7, v8  }
0x94: {  	v8 =	vld [tilespmem:s29+$0x18000]  }
0x95: {  	v6 =	vor.u32 v6, v7;
	_ =	sdelay $0x2  }
0x96: {  	v4 =	vsel vm0, v4, v5  }
0x97: {  	v9 =	vld [tilespmem:s21+$0x19E00];
	[tilespmem:s21+$0x19400] =	vst v4;
	v4 =	vshra.s32 v8, $0x9;
	v5 =	vshll.u32 v8, $0x3;
	v7 =	vand.u32 $0x707F, v8  }
0x98: {  	v6 =	vld.idx.msk [tilespmem:v6+s23+$0x0], vm1;
	v8 =	vsub.s32 v4, v2;
	v5 =	vand.u32 $0xC00, v5;
	v4 =	vshll.u32 v4, $0x7  }
0x99: {  	v4 =	vand.u32 $0x380, v4;
	v5 =	vor.u32 v5, v7  }
0x9a: {  	vm0 =	vlt.u32 v8, $0x40;
	v4 =	vor.u32 v4, v5;
	v5 =	vld [tilespmem:s29+$0x18A00];
	_ =	sdelay $0x2  }
0x9b: {  	v6 =	vsel vm1, v6, v9  }
0x9c: {  	[tilespmem:s21+$0x19E00] =	vst v6  }
0x9d: {  	v8 =	vld [tilespmem:s29+$0x19400];
	v6 =	vshra.s32 v5, $0x9;
	v7 =	vshll.u32 v5, $0x3;
	v5 =	vand.u32 $0x707F, v5  }
0x9e: {  	v4 =	vld.idx.msk [tilespmem:v4+s23+$0x0], vm0;
	v62 =	vsub.s32 v6, v2;
	v7 =	vand.u32 $0xC00, v7;
	v6 =	vshll.u32 v6, $0x7  }
0x9f: {  	vm1 =	vlt.u32 v62, $0x40;
	v6 =	vand.u32 $0x380, v6;
	v5 =	vor.u32 v7, v5  }
0xa0: {  	v5 =	vor.u32 v6, v5;
	_ =	sdelay $0x2  }
0xa1: {  	v4 =	vsel vm0, v4, v8  }
0xa2: {  	[tilespmem:s29+$0x19400] =	vst v4  }
0xa3: {  	v4 =	vld.idx.msk [tilespmem:v5+s23+$0x0], vm1  }
0xa4: {  	v5 =	vld [tilespmem:s29+$0x19E00];
	_ =	sdelay $0x4  }
0xa5: {  	v4 =	vsel vm1, v4, v5  }
0xa6: {  	[tilespmem:s29+$0x19E00] =	vst v4  }
0xa7: {  	_ =	swait.ge [sflag:s22], $0x8000  }
0xa8: {  	[sflag:s22] =	ssyncset.done $0x0  }
0xa9: {  	s21 =	simm.s32 $0x0;
	[sflag:s22] =	ssyncadd.s32 $0xFFFF8000  }
0xaa: {  	[tilespmem:s23], [sflag:$0x3] =	stream.linear.gather [hbm4b:s10+s21], $0x8000, $0x38;
	[tilespmem:$0x1BC00] =	vst v63  }
0xab: {  	s21 =	simm.s32 $0x0  }
0xac: {  	v4 =	vld [tilespmem:s21+$0x18000];
	_ =	sdelay $0x4  }
0xad: {  	v5 =	vshra.s32 v4, $0x9;
	v6 =	vshll.u32 v4, $0x3;
	v4 =	vand.u32 $0x707F, v4  }
0xae: {  	v7 =	vsub.s32 v5, v3;
	v6 =	vand.u32 $0xC00, v6;
	v5 =	vshll.u32 v5, $0x7  }
0xaf: {  	vm0 =	vlt.u32 v7, $0x40;
	v5 =	vand.u32 $0x380, v5;
	v4 =	vor.u32 v6, v4  }
0xb0: {  	v6 =	vld [tilespmem:s21+$0x18A00];
	v4 =	vor.u32 v5, v4;
	_ =	sdelay $0x4  }
0xb1: {  	v5 =	vshra.s32 v6, $0x9;
	v7 =	vshll.u32 v6, $0x3;
	v8 =	vand.u32 $0x707F, v6;
	v4 =	vld.idx.msk [tilespmem:v4+s1+$0x0], vm0  }
0xb2: {  	v6 =	vsub.s32 v5, v3;
	v7 =	vand.u32 $0xC00, v7;
	v63 =	vshll.u32 v5, $0x7;
	v5 =	vld [tilespmem:s21+$0x19400]  }
0xb3: {  	s30 =	simm.s32 $0x80;
	s29 =	simm.s32 $0x10;
	vm1 =	vlt.u32 v6, $0x40;
	v6 =	vand.u32 $0x380, v63;
	v7 =	vor.u32 v7, v8  }
.LBB2_8:
0xb4: {  	p0 =	sne.s32 s30, $0x27C0;
	v8 =	vld [tilespmem:s29+$0x18000];
	v6 =	vor.u32 v6, v7;
	_ =	sdelay $0x2  }
0xb5: {  	v4 =	vsel vm0, v4, v5  }
0xb6: {  	[tilespmem:s21+$0x19400] =	vst v4  }
0xb7: {  	v4 =	vshra.s32 v8, $0x9;
	v5 =	vshll.u32 v8, $0x3;
	v7 =	vand.u32 $0x707F, v8;
	v6 =	vld.idx.msk [tilespmem:v6+s1+$0x0], vm1  }
0xb8: {  	v8 =	vsub.s32 v4, v3;
	v5 =	vand.u32 $0xC00, v5;
	v4 =	vshll.u32 v4, $0x7;
	v9 =	vld [tilespmem:s21+$0x19E00]  }
0xb9: {  	vm0 =	vlt.u32 v8, $0x40;
	v4 =	vand.u32 $0x380, v4;
	v5 =	vor.u32 v5, v7  }
0xba: {  	v4 =	vor.u32 v4, v5;
	v5 =	vld [tilespmem:s29+$0x18A00];
	_ =	sdelay $0x2  }
.Ltmp3:
0xbb: {  	v6 =	vsel vm1, v6, v9;
	(pc) =	sbr.rel @p0 .LBB2_8-.Ltmp3, $4  }
0xbc: {  	[tilespmem:s21+$0x19E00] =	vst v6;
	s21 =	smov.u32 s29  }
0xbd: {  	v4 =	vld.idx.msk [tilespmem:v4+s1+$0x0], vm0;
	v6 =	vshra.s32 v5, $0x9;
	v7 =	vshll.u32 v5, $0x3;
	v8 =	vand.u32 $0x707F, v5  }
0xbe: {  	v5 =	vld [tilespmem:s21+$0x19400];
	v9 =	vsub.s32 v6, v3;
	v7 =	vand.u32 $0xC00, v7;
	v6 =	vshll.u32 v6, $0x7  }
0xbf: {  	s29 =	sshra.s32 s30, $0x2;
	s30 =	sadd.s32 $0x40, s30;
	vm1 =	vlt.u32 v9, $0x40;
	v6 =	vand.u32 $0x380, v6;
	v7 =	vor.u32 v7, v8  }
0xc0: {  	v8 =	vld [tilespmem:s29+$0x18000]  }
0xc1: {  	v6 =	vor.u32 v6, v7;
	_ =	sdelay $0x2  }
0xc2: {  	v4 =	vsel vm0, v4, v5  }
0xc3: {  	v9 =	vld [tilespmem:s21+$0x19E00];
	[tilespmem:s21+$0x19400] =	vst v4;
	v4 =	vshra.s32 v8, $0x9;
	v5 =	vshll.u32 v8, $0x3;
	v7 =	vand.u32 $0x707F, v8  }
0xc4: {  	v6 =	vld.idx.msk [tilespmem:v6+s1+$0x0], vm1;
	v8 =	vsub.s32 v4, v3;
	v5 =	vand.u32 $0xC00, v5;
	v4 =	vshll.u32 v4, $0x7  }
0xc5: {  	v4 =	vand.u32 $0x380, v4;
	v5 =	vor.u32 v5, v7  }
0xc6: {  	vm0 =	vlt.u32 v8, $0x40;
	v4 =	vor.u32 v4, v5;
	v5 =	vld [tilespmem:s29+$0x18A00];
	_ =	sdelay $0x2  }
0xc7: {  	v6 =	vsel vm1, v6, v9  }
0xc8: {  	[tilespmem:s21+$0x19E00] =	vst v6  }
0xc9: {  	v8 =	vld [tilespmem:s29+$0x19400];
	v6 =	vshra.s32 v5, $0x9;
	v7 =	vshll.u32 v5, $0x3;
	v5 =	vand.u32 $0x707F, v5  }
0xca: {  	v4 =	vld.idx.msk [tilespmem:v4+s1+$0x0], vm0;
	v62 =	vsub.s32 v6, v3;
	v7 =	vand.u32 $0xC00, v7;
	v6 =	vshll.u32 v6, $0x7  }
0xcb: {  	vm1 =	vlt.u32 v62, $0x40;
	v6 =	vand.u32 $0x380, v6;
	v5 =	vor.u32 v7, v5  }
0xcc: {  	v5 =	vor.u32 v6, v5;
	_ =	sdelay $0x2  }
0xcd: {  	v4 =	vsel vm0, v4, v8  }
0xce: {  	[tilespmem:s29+$0x19400] =	vst v4  }
0xcf: {  	v4 =	vld.idx.msk [tilespmem:v5+s1+$0x0], vm1  }
0xd0: {  	v5 =	vld [tilespmem:s29+$0x19E00];
	_ =	sdelay $0x4  }
0xd1: {  	v4 =	vsel vm1, v4, v5  }
0xd2: {  	s21 =	simm.s32 $0x19400;
	[tilespmem:s29+$0x19E00] =	vst v4  }
0xd3: {  	[hbm4b:s11+s26] =	stream.strided.scatter [tilespmem:s21], [sflag:$0x4], $0xA00, s28, s26, $0x38;
	[tilespmem:$0x1BC00] =	vst v63  }
0xd4: {  	s21 =	simm.s32 $0x19E00  }
0xd5: {  	[hbm4b:s12+s26] =	stream.strided.scatter [tilespmem:s21], [sflag:$0x4], $0xA00, s28, s26, $0x38;
	[tilespmem:$0x1BC00] =	vst v63  }
0xd6: {  	_ =	swait.ge [sflag:s24], $0x8000  }
0xd7: {  	[sflag:s24] =	ssyncset.done $0x0  }
0xd8: {  	s21 =	simm.s32 $0x0;
	[sflag:s24] =	ssyncadd.s32 $0xFFFF8000  }
0xd9: {  	[tilespmem:s21], [sflag:$0x1] =	stream.linear.gather [hbm4b:s13+s21], $0x8000, $0x38;
	[tilespmem:$0x1BC00] =	vst v63  }
0xda: {  	s21 =	simm.s32 $0x0  }
0xdb: {  	v4 =	vld [tilespmem:s21+$0x18000];
	_ =	sdelay $0x4  }
0xdc: {  	v5 =	vshra.s32 v4, $0x9;
	v6 =	vshll.u32 v4, $0x3;
	v4 =	vand.u32 $0x707F, v4  }
0xdd: {  	v7 =	vsub.s32 v5, v0;
	v6 =	vand.u32 $0xC00, v6;
	v5 =	vshll.u32 v5, $0x7  }
0xde: {  	vm0 =	vlt.u32 v7, $0x40;
	v5 =	vand.u32 $0x380, v5;
	v4 =	vor.u32 v6, v4  }
0xdf: {  	v6 =	vld [tilespmem:s21+$0x18A00];
	v4 =	vor.u32 v5, v4;
	_ =	sdelay $0x4  }
0xe0: {  	v5 =	vshra.s32 v6, $0x9;
	v7 =	vshll.u32 v6, $0x3;
	v8 =	vand.u32 $0x707F, v6;
	v4 =	vld.idx.msk [tilespmem:v4+s18+$0x0], vm0  }
0xe1: {  	v6 =	vsub.s32 v5, v0;
	v7 =	vand.u32 $0xC00, v7;
	v63 =	vshll.u32 v5, $0x7;
	v5 =	vld [tilespmem:s21+$0x1A800]  }
0xe2: {  	s30 =	simm.s32 $0x80;
	s29 =	simm.s32 $0x10;
	vm1 =	vlt.u32 v6, $0x40;
	v6 =	vand.u32 $0x380, v63;
	v7 =	vor.u32 v7, v8  }
.LBB2_10:
0xe3: {  	p0 =	sne.s32 s30, $0x27C0;
	v8 =	vld [tilespmem:s29+$0x18000];
	v6 =	vor.u32 v6, v7;
	_ =	sdelay $0x2  }
0xe4: {  	v4 =	vsel vm0, v4, v5  }
0xe5: {  	[tilespmem:s21+$0x1A800] =	vst v4  }
0xe6: {  	v4 =	vshra.s32 v8, $0x9;
	v5 =	vshll.u32 v8, $0x3;
	v7 =	vand.u32 $0x707F, v8;
	v6 =	vld.idx.msk [tilespmem:v6+s18+$0x0], vm1  }
0xe7: {  	v8 =	vsub.s32 v4, v0;
	v5 =	vand.u32 $0xC00, v5;
	v4 =	vshll.u32 v4, $0x7;
	v9 =	vld [tilespmem:s21+$0x1B200]  }
0xe8: {  	vm0 =	vlt.u32 v8, $0x40;
	v4 =	vand.u32 $0x380, v4;
	v5 =	vor.u32 v5, v7  }
0xe9: {  	v4 =	vor.u32 v4, v5;
	v5 =	vld [tilespmem:s29+$0x18A00];
	_ =	sdelay $0x2  }
.Ltmp4:
0xea: {  	v6 =	vsel vm1, v6, v9;
	(pc) =	sbr.rel @p0 .LBB2_10-.Ltmp4, $4  }
0xeb: {  	[tilespmem:s21+$0x1B200] =	vst v6;
	s21 =	smov.u32 s29  }
0xec: {  	v4 =	vld.idx.msk [tilespmem:v4+s18+$0x0], vm0;
	v6 =	vshra.s32 v5, $0x9;
	v7 =	vshll.u32 v5, $0x3;
	v8 =	vand.u32 $0x707F, v5  }
0xed: {  	v5 =	vld [tilespmem:s21+$0x1A800];
	v9 =	vsub.s32 v6, v0;
	v7 =	vand.u32 $0xC00, v7;
	v6 =	vshll.u32 v6, $0x7  }
0xee: {  	s29 =	sshra.s32 s30, $0x2;
	s30 =	sadd.s32 $0x40, s30;
	vm1 =	vlt.u32 v9, $0x40;
	v6 =	vand.u32 $0x380, v6;
	v7 =	vor.u32 v7, v8  }
0xef: {  	v8 =	vld [tilespmem:s29+$0x18000]  }
0xf0: {  	v6 =	vor.u32 v6, v7;
	_ =	sdelay $0x2  }
0xf1: {  	v4 =	vsel vm0, v4, v5  }
0xf2: {  	v9 =	vld [tilespmem:s21+$0x1B200];
	[tilespmem:s21+$0x1A800] =	vst v4;
	v4 =	vshra.s32 v8, $0x9;
	v5 =	vshll.u32 v8, $0x3;
	v7 =	vand.u32 $0x707F, v8  }
0xf3: {  	v6 =	vld.idx.msk [tilespmem:v6+s18+$0x0], vm1;
	v8 =	vsub.s32 v4, v0;
	v5 =	vand.u32 $0xC00, v5;
	v4 =	vshll.u32 v4, $0x7  }
0xf4: {  	v4 =	vand.u32 $0x380, v4;
	v5 =	vor.u32 v5, v7  }
0xf5: {  	vm0 =	vlt.u32 v8, $0x40;
	v4 =	vor.u32 v4, v5;
	v5 =	vld [tilespmem:s29+$0x18A00];
	_ =	sdelay $0x2  }
0xf6: {  	v6 =	vsel vm1, v6, v9  }
0xf7: {  	[tilespmem:s21+$0x1B200] =	vst v6  }
0xf8: {  	v8 =	vld [tilespmem:s29+$0x1A800];
	v6 =	vshra.s32 v5, $0x9;
	v7 =	vshll.u32 v5, $0x3;
	v5 =	vand.u32 $0x707F, v5  }
0xf9: {  	v4 =	vld.idx.msk [tilespmem:v4+s18+$0x0], vm0;
	v62 =	vsub.s32 v6, v0;
	v7 =	vand.u32 $0xC00, v7;
	v6 =	vshll.u32 v6, $0x7  }
0xfa: {  	vm1 =	vlt.u32 v62, $0x40;
	v6 =	vand.u32 $0x380, v6;
	v5 =	vor.u32 v7, v5  }
0xfb: {  	v5 =	vor.u32 v6, v5;
	_ =	sdelay $0x2  }
0xfc: {  	v4 =	vsel vm0, v4, v8  }
0xfd: {  	[tilespmem:s29+$0x1A800] =	vst v4  }
0xfe: {  	v4 =	vld.idx.msk [tilespmem:v5+s18+$0x0], vm1  }
0xff: {  	v5 =	vld [tilespmem:s29+$0x1B200];
	_ =	sdelay $0x4  }
0x100: {  	v4 =	vsel vm1, v4, v5  }
0x101: {  	[tilespmem:s29+$0x1B200] =	vst v4  }
0x102: {  	_ =	swait.ge [sflag:s25], $0x8000  }
0x103: {  	[sflag:s25] =	ssyncset.done $0x0  }
0x104: {  	s21 =	simm.s32 $0x0;
	[sflag:s25] =	ssyncadd.s32 $0xFFFF8000  }
0x105: {  	[tilespmem:s18], [sflag:$0x2] =	stream.linear.gather [hbm4b:s14+s21], $0x8000, $0x38;
	[tilespmem:$0x1BC00] =	vst v63  }
0x106: {  	s21 =	simm.s32 $0x0  }
0x107: {  	v4 =	vld [tilespmem:s21+$0x18000];
	_ =	sdelay $0x4  }
0x108: {  	v5 =	vshra.s32 v4, $0x9;
	v6 =	vshll.u32 v4, $0x3;
	v4 =	vand.u32 $0x707F, v4  }
0x109: {  	v7 =	vsub.s32 v5, v1;
	v6 =	vand.u32 $0xC00, v6;
	v5 =	vshll.u32 v5, $0x7  }
0x10a: {  	vm0 =	vlt.u32 v7, $0x40;
	v5 =	vand.u32 $0x380, v5;
	v4 =	vor.u32 v6, v4  }
0x10b: {  	v6 =	vld [tilespmem:s21+$0x18A00];
	v4 =	vor.u32 v5, v4;
	_ =	sdelay $0x4  }
0x10c: {  	v5 =	vshra.s32 v6, $0x9;
	v7 =	vshll.u32 v6, $0x3;
	v8 =	vand.u32 $0x707F, v6;
	v4 =	vld.idx.msk [tilespmem:v4+s23+$0x0], vm0  }
0x10d: {  	v6 =	vsub.s32 v5, v1;
	v7 =	vand.u32 $0xC00, v7;
	v63 =	vshll.u32 v5, $0x7;
	v5 =	vld [tilespmem:s21+$0x1A800]  }
0x10e: {  	s30 =	simm.s32 $0x80;
	s29 =	simm.s32 $0x10;
	vm1 =	vlt.u32 v6, $0x40;
	v6 =	vand.u32 $0x380, v63;
	v7 =	vor.u32 v7, v8  }
.LBB2_12:
0x10f: {  	p0 =	sne.s32 s30, $0x27C0;
	v8 =	vld [tilespmem:s29+$0x18000];
	v6 =	vor.u32 v6, v7;
	_ =	sdelay $0x2  }
0x110: {  	v4 =	vsel vm0, v4, v5  }
0x111: {  	[tilespmem:s21+$0x1A800] =	vst v4  }
0x112: {  	v4 =	vshra.s32 v8, $0x9;
	v5 =	vshll.u32 v8, $0x3;
	v7 =	vand.u32 $0x707F, v8;
	v6 =	vld.idx.msk [tilespmem:v6+s23+$0x0], vm1  }
0x113: {  	v8 =	vsub.s32 v4, v1;
	v5 =	vand.u32 $0xC00, v5;
	v4 =	vshll.u32 v4, $0x7;
	v9 =	vld [tilespmem:s21+$0x1B200]  }
0x114: {  	vm0 =	vlt.u32 v8, $0x40;
	v4 =	vand.u32 $0x380, v4;
	v5 =	vor.u32 v5, v7  }
0x115: {  	v4 =	vor.u32 v4, v5;
	v5 =	vld [tilespmem:s29+$0x18A00];
	_ =	sdelay $0x2  }
.Ltmp5:
0x116: {  	v6 =	vsel vm1, v6, v9;
	(pc) =	sbr.rel @p0 .LBB2_12-.Ltmp5, $4  }
0x117: {  	[tilespmem:s21+$0x1B200] =	vst v6;
	s21 =	smov.u32 s29  }
0x118: {  	v4 =	vld.idx.msk [tilespmem:v4+s23+$0x0], vm0;
	v6 =	vshra.s32 v5, $0x9;
	v7 =	vshll.u32 v5, $0x3;
	v8 =	vand.u32 $0x707F, v5  }
0x119: {  	v5 =	vld [tilespmem:s21+$0x1A800];
	v9 =	vsub.s32 v6, v1;
	v7 =	vand.u32 $0xC00, v7;
	v6 =	vshll.u32 v6, $0x7  }
0x11a: {  	s29 =	sshra.s32 s30, $0x2;
	s30 =	sadd.s32 $0x40, s30;
	vm1 =	vlt.u32 v9, $0x40;
	v6 =	vand.u32 $0x380, v6;
	v7 =	vor.u32 v7, v8  }
0x11b: {  	v8 =	vld [tilespmem:s29+$0x18000]  }
0x11c: {  	v6 =	vor.u32 v6, v7;
	_ =	sdelay $0x2  }
0x11d: {  	v4 =	vsel vm0, v4, v5  }
0x11e: {  	v9 =	vld [tilespmem:s21+$0x1B200];
	[tilespmem:s21+$0x1A800] =	vst v4;
	v4 =	vshra.s32 v8, $0x9;
	v5 =	vshll.u32 v8, $0x3;
	v7 =	vand.u32 $0x707F, v8  }
0x11f: {  	v6 =	vld.idx.msk [tilespmem:v6+s23+$0x0], vm1;
	v8 =	vsub.s32 v4, v1;
	v5 =	vand.u32 $0xC00, v5;
	v4 =	vshll.u32 v4, $0x7  }
0x120: {  	v4 =	vand.u32 $0x380, v4;
	v5 =	vor.u32 v5, v7  }
0x121: {  	vm0 =	vlt.u32 v8, $0x40;
	v4 =	vor.u32 v4, v5;
	v5 =	vld [tilespmem:s29+$0x18A00];
	_ =	sdelay $0x2  }
0x122: {  	v6 =	vsel vm1, v6, v9  }
0x123: {  	[tilespmem:s21+$0x1B200] =	vst v6  }
0x124: {  	v8 =	vld [tilespmem:s29+$0x1A800];
	v6 =	vshra.s32 v5, $0x9;
	v7 =	vshll.u32 v5, $0x3;
	v5 =	vand.u32 $0x707F, v5  }
0x125: {  	v4 =	vld.idx.msk [tilespmem:v4+s23+$0x0], vm0;
	v62 =	vsub.s32 v6, v1;
	v7 =	vand.u32 $0xC00, v7;
	v6 =	vshll.u32 v6, $0x7  }
0x126: {  	vm1 =	vlt.u32 v62, $0x40;
	v6 =	vand.u32 $0x380, v6;
	v5 =	vor.u32 v7, v5  }
0x127: {  	v5 =	vor.u32 v6, v5;
	_ =	sdelay $0x2  }
0x128: {  	v4 =	vsel vm0, v4, v8  }
0x129: {  	[tilespmem:s29+$0x1A800] =	vst v4  }
0x12a: {  	v4 =	vld.idx.msk [tilespmem:v5+s23+$0x0], vm1  }
0x12b: {  	v5 =	vld [tilespmem:s29+$0x1B200];
	_ =	sdelay $0x4  }
0x12c: {  	v4 =	vsel vm1, v4, v5  }
0x12d: {  	[tilespmem:s29+$0x1B200] =	vst v4  }
0x12e: {  	_ =	swait.ge [sflag:s22], $0x8000  }
0x12f: {  	[sflag:s22] =	ssyncset.done $0x0  }
0x130: {  	s21 =	simm.s32 $0x0;
	[sflag:s22] =	ssyncadd.s32 $0xFFFF8000  }
0x131: {  	v4 =	vld [tilespmem:s21+$0x18000];
	_ =	sdelay $0x4  }
0x132: {  	v5 =	vshra.s32 v4, $0x9;
	v6 =	vshll.u32 v4, $0x3;
	v4 =	vand.u32 $0x707F, v4  }
0x133: {  	v7 =	vsub.s32 v5, v2;
	v6 =	vand.u32 $0xC00, v6;
	v5 =	vshll.u32 v5, $0x7  }
0x134: {  	vm0 =	vlt.u32 v7, $0x40;
	v5 =	vand.u32 $0x380, v5;
	v4 =	vor.u32 v6, v4  }
0x135: {  	v6 =	vld [tilespmem:s21+$0x18A00];
	v4 =	vor.u32 v5, v4;
	_ =	sdelay $0x4  }
0x136: {  	v5 =	vshra.s32 v6, $0x9;
	v7 =	vshll.u32 v6, $0x3;
	v8 =	vand.u32 $0x707F, v6;
	v4 =	vld.idx.msk [tilespmem:v4+s1+$0x0], vm0  }
0x137: {  	v6 =	vsub.s32 v5, v2;
	v7 =	vand.u32 $0xC00, v7;
	v63 =	vshll.u32 v5, $0x7;
	v5 =	vld [tilespmem:s21+$0x1A800]  }
0x138: {  	s30 =	simm.s32 $0x80;
	s29 =	simm.s32 $0x10;
	vm1 =	vlt.u32 v6, $0x40;
	v6 =	vand.u32 $0x380, v63;
	v7 =	vor.u32 v7, v8  }
.LBB2_14:
0x139: {  	p0 =	sne.s32 s30, $0x27C0;
	v8 =	vld [tilespmem:s29+$0x18000];
	v6 =	vor.u32 v6, v7;
	_ =	sdelay $0x2  }
0x13a: {  	v4 =	vsel vm0, v4, v5  }
0x13b: {  	[tilespmem:s21+$0x1A800] =	vst v4  }
0x13c: {  	v4 =	vshra.s32 v8, $0x9;
	v5 =	vshll.u32 v8, $0x3;
	v7 =	vand.u32 $0x707F, v8;
	v6 =	vld.idx.msk [tilespmem:v6+s1+$0x0], vm1  }
0x13d: {  	v8 =	vsub.s32 v4, v2;
	v5 =	vand.u32 $0xC00, v5;
	v4 =	vshll.u32 v4, $0x7;
	v9 =	vld [tilespmem:s21+$0x1B200]  }
0x13e: {  	vm0 =	vlt.u32 v8, $0x40;
	v4 =	vand.u32 $0x380, v4;
	v5 =	vor.u32 v5, v7  }
0x13f: {  	v4 =	vor.u32 v4, v5;
	v5 =	vld [tilespmem:s29+$0x18A00];
	_ =	sdelay $0x2  }
.Ltmp6:
0x140: {  	v6 =	vsel vm1, v6, v9;
	(pc) =	sbr.rel @p0 .LBB2_14-.Ltmp6, $4  }
0x141: {  	[tilespmem:s21+$0x1B200] =	vst v6;
	s21 =	smov.u32 s29  }
0x142: {  	v4 =	vld.idx.msk [tilespmem:v4+s1+$0x0], vm0;
	v6 =	vshra.s32 v5, $0x9;
	v7 =	vshll.u32 v5, $0x3;
	v8 =	vand.u32 $0x707F, v5  }
0x143: {  	v5 =	vld [tilespmem:s21+$0x1A800];
	v9 =	vsub.s32 v6, v2;
	v7 =	vand.u32 $0xC00, v7;
	v6 =	vshll.u32 v6, $0x7  }
0x144: {  	s29 =	sshra.s32 s30, $0x2;
	s30 =	sadd.s32 $0x40, s30;
	vm1 =	vlt.u32 v9, $0x40;
	v6 =	vand.u32 $0x380, v6;
	v7 =	vor.u32 v7, v8  }
0x145: {  	v8 =	vld [tilespmem:s29+$0x18000]  }
0x146: {  	v6 =	vor.u32 v6, v7;
	_ =	sdelay $0x2  }
0x147: {  	v4 =	vsel vm0, v4, v5  }
0x148: {  	v9 =	vld [tilespmem:s21+$0x1B200];
	[tilespmem:s21+$0x1A800] =	vst v4;
	v4 =	vshra.s32 v8, $0x9;
	v5 =	vshll.u32 v8, $0x3;
	v7 =	vand.u32 $0x707F, v8  }
0x149: {  	v6 =	vld.idx.msk [tilespmem:v6+s1+$0x0], vm1;
	v8 =	vsub.s32 v4, v2;
	v5 =	vand.u32 $0xC00, v5;
	v4 =	vshll.u32 v4, $0x7  }
0x14a: {  	v4 =	vand.u32 $0x380, v4;
	v5 =	vor.u32 v5, v7  }
0x14b: {  	vm0 =	vlt.u32 v8, $0x40;
	v4 =	vor.u32 v4, v5;
	v5 =	vld [tilespmem:s29+$0x18A00];
	_ =	sdelay $0x2  }
0x14c: {  	v6 =	vsel vm1, v6, v9  }
0x14d: {  	[tilespmem:s21+$0x1B200] =	vst v6  }
0x14e: {  	v8 =	vld [tilespmem:s29+$0x1A800];
	v6 =	vshra.s32 v5, $0x9;
	v7 =	vshll.u32 v5, $0x3;
	v5 =	vand.u32 $0x707F, v5  }
0x14f: {  	v4 =	vld.idx.msk [tilespmem:v4+s1+$0x0], vm0;
	v62 =	vsub.s32 v6, v2;
	v7 =	vand.u32 $0xC00, v7;
	v6 =	vshll.u32 v6, $0x7  }
0x150: {  	vm1 =	vlt.u32 v62, $0x40;
	v6 =	vand.u32 $0x380, v6;
	v5 =	vor.u32 v7, v5  }
0x151: {  	v5 =	vor.u32 v6, v5;
	_ =	sdelay $0x2  }
0x152: {  	v4 =	vsel vm0, v4, v8  }
0x153: {  	[tilespmem:s29+$0x1A800] =	vst v4  }
0x154: {  	v4 =	vld.idx.msk [tilespmem:v5+s1+$0x0], vm1  }
0x155: {  	v5 =	vld [tilespmem:s29+$0x1B200];
	_ =	sdelay $0x4  }
0x156: {  	v4 =	vsel vm1, v4, v5  }
0x157: {  	[tilespmem:s29+$0x1B200] =	vst v4  }
0x158: {  	_ =	swait.ge [sflag:s24], $0x8000  }
0x159: {  	[sflag:s24] =	ssyncset.done $0x0  }
0x15a: {  	s21 =	simm.s32 $0x0;
	[sflag:s24] =	ssyncadd.s32 $0xFFFF8000  }
0x15b: {  	v4 =	vld [tilespmem:s21+$0x18000];
	_ =	sdelay $0x4  }
0x15c: {  	v5 =	vshra.s32 v4, $0x9;
	v6 =	vshll.u32 v4, $0x3;
	v4 =	vand.u32 $0x707F, v4  }
0x15d: {  	v7 =	vsub.s32 v5, v3;
	v6 =	vand.u32 $0xC00, v6;
	v5 =	vshll.u32 v5, $0x7  }
0x15e: {  	vm0 =	vlt.u32 v7, $0x40;
	v5 =	vand.u32 $0x380, v5;
	v4 =	vor.u32 v6, v4  }
0x15f: {  	v6 =	vld [tilespmem:s21+$0x18A00];
	v4 =	vor.u32 v5, v4;
	_ =	sdelay $0x4  }
0x160: {  	v5 =	vshra.s32 v6, $0x9;
	v7 =	vshll.u32 v6, $0x3;
	v8 =	vand.u32 $0x707F, v6;
	v4 =	vld.idx.msk [tilespmem:v4+s18+$0x0], vm0  }
0x161: {  	v6 =	vsub.s32 v5, v3;
	v7 =	vand.u32 $0xC00, v7;
	v63 =	vshll.u32 v5, $0x7;
	v5 =	vld [tilespmem:s21+$0x1A800]  }
0x162: {  	s30 =	simm.s32 $0x80;
	s29 =	simm.s32 $0x10;
	vm1 =	vlt.u32 v6, $0x40;
	v6 =	vand.u32 $0x380, v63;
	v7 =	vor.u32 v7, v8  }
.LBB2_16:
0x163: {  	p0 =	sne.s32 s30, $0x27C0;
	v8 =	vld [tilespmem:s29+$0x18000];
	v6 =	vor.u32 v6, v7;
	_ =	sdelay $0x2  }
0x164: {  	v4 =	vsel vm0, v4, v5  }
0x165: {  	[tilespmem:s21+$0x1A800] =	vst v4  }
0x166: {  	v4 =	vshra.s32 v8, $0x9;
	v5 =	vshll.u32 v8, $0x3;
	v7 =	vand.u32 $0x707F, v8;
	v6 =	vld.idx.msk [tilespmem:v6+s18+$0x0], vm1  }
0x167: {  	v8 =	vsub.s32 v4, v3;
	v5 =	vand.u32 $0xC00, v5;
	v4 =	vshll.u32 v4, $0x7;
	v9 =	vld [tilespmem:s21+$0x1B200]  }
0x168: {  	vm0 =	vlt.u32 v8, $0x40;
	v4 =	vand.u32 $0x380, v4;
	v5 =	vor.u32 v5, v7  }
0x169: {  	v4 =	vor.u32 v4, v5;
	v5 =	vld [tilespmem:s29+$0x18A00];
	_ =	sdelay $0x2  }
.Ltmp7:
0x16a: {  	v6 =	vsel vm1, v6, v9;
	(pc) =	sbr.rel @p0 .LBB2_16-.Ltmp7, $4  }
0x16b: {  	[tilespmem:s21+$0x1B200] =	vst v6;
	s21 =	smov.u32 s29  }
0x16c: {  	v4 =	vld.idx.msk [tilespmem:v4+s18+$0x0], vm0;
	v6 =	vshra.s32 v5, $0x9;
	v7 =	vshll.u32 v5, $0x3;
	v8 =	vand.u32 $0x707F, v5  }
0x16d: {  	v5 =	vld [tilespmem:s21+$0x1A800];
	v9 =	vsub.s32 v6, v3;
	v7 =	vand.u32 $0xC00, v7;
	v6 =	vshll.u32 v6, $0x7  }
0x16e: {  	s29 =	sshra.s32 s30, $0x2;
	s30 =	sadd.s32 $0x40, s30;
	vm1 =	vlt.u32 v9, $0x40;
	v6 =	vand.u32 $0x380, v6;
	v7 =	vor.u32 v7, v8  }
0x16f: {  	v8 =	vld [tilespmem:s29+$0x18000]  }
0x170: {  	v6 =	vor.u32 v6, v7;
	_ =	sdelay $0x2  }
0x171: {  	v4 =	vsel vm0, v4, v5  }
0x172: {  	v9 =	vld [tilespmem:s21+$0x1B200];
	[tilespmem:s21+$0x1A800] =	vst v4;
	v4 =	vshra.s32 v8, $0x9;
	v5 =	vshll.u32 v8, $0x3;
	v58 =	vand.u32 $0x707F, v8  }
0x173: {  	v6 =	vld.idx.msk [tilespmem:v6+s18+$0x0], vm1;
	v59 =	vsub.s32 v4, v3;
	v5 =	vand.u32 $0xC00, v5;
	v4 =	vshll.u32 v4, $0x7  }
0x174: {  	v4 =	vand.u32 $0x380, v4;
	v5 =	vor.u32 v5, v58  }
0x175: {  	vm14 =	vlt.u32 v59, $0x40;
	v4 =	vor.u32 v4, v5;
	v5 =	vld [tilespmem:s29+$0x18A00];
	_ =	sdelay $0x2  }
0x176: {  	v6 =	vsel vm1, v6, v9  }
0x177: {  	[tilespmem:s21+$0x1B200] =	vst v6  }
0x178: {  	v62 =	vld [tilespmem:s29+$0x1A800];
	v60 =	vshra.s32 v5, $0x9;
	v61 =	vshll.u32 v5, $0x3;
	v5 =	vand.u32 $0x707F, v5  }
0x179: {  	v4 =	vld.idx.msk [tilespmem:v4+s18+$0x0], vm14;
	v63 =	vsub.s32 v60, v3;
	v7 =	vand.u32 $0xC00, v61;
	v6 =	vshll.u32 v60, $0x7  }
0x17a: {  	vm15 =	vlt.u32 v63, $0x40;
	v6 =	vand.u32 $0x380, v6;
	v5 =	vor.u32 v7, v5  }
0x17b: {  	v5 =	vor.u32 v6, v5;
	_ =	sdelay $0x2  }
0x17c: {  	v4 =	vsel vm14, v4, v62  }
0x17d: {  	[tilespmem:s29+$0x1A800] =	vst v4  }
0x17e: {  	v4 =	vld.idx.msk [tilespmem:v5+s18+$0x0], vm15  }
0x17f: {  	v5 =	vld [tilespmem:s29+$0x1B200];
	_ =	sdelay $0x4  }
0x180: {  	v4 =	vsel vm15, v4, v5  }
0x181: {  	[tilespmem:s29+$0x1B200] =	vst v4  }
0x182: {  	[hbm4b:s15+s26] =	stream.strided.scatter [tilespmem:s31], [sflag:$0x4], $0xA00, s28, s26, $0x38;
	[tilespmem:$0x1BC00] =	vst v63  }
0x183: {  	_ = 	snop  }
0x184: {  	[hbm4b:s16+s26] =	stream.strided.scatter [tilespmem:s0], [sflag:$0x4], $0xA00, s28, s26, $0x38;
	[tilespmem:$0x1BC00] =	vst v63  }
0x185: {  	_ =	swait.ge [sflag:s2], $0xA00  }
0x186: {  	[sflag:s2] =	ssyncset.done $0x0  }
0x187: {  	[sflag:s2] =	ssyncadd.s32 $0xFFFFF600  }
0x188: {  	_ =	swait.ge [sflag:s2], $0xA00  }
0x189: {  	[sflag:s2] =	ssyncset.done $0x0  }
0x18a: {  	s19 =	sadd.s32 $0x1, s19;
	[sflag:s2] =	ssyncadd.s32 $0xFFFFF600  }
0x18b: {  	p0 =	sne.s32 s19, s17;
	_ =	swait.ge [sflag:s2], $0xA00  }
.Ltmp8:
0x18c: {  	[sflag:s2] =	ssyncset.done $0x0;
	(pc) =	sbr.rel @p0 .LBB2_1-.Ltmp8, $4  }
0x18d: {  	[sflag:s2] =	ssyncadd.s32 $0xFFFFF600  }
0x18e: {  	_ =	swait.ge [sflag:s2], $0xA00  }
0x18f: {  	[sflag:s2] =	ssyncset.done $0x0  }
0x190: {  	[sflag:s2] =	ssyncadd.s32 $0xFFFFF600  }
0x191: {  	_ =	sfence.sel $0x180000  }
0x192: {  	[bflag:$0x0] =	sbarrier.arrive $0xFFFF  }
0x193: {  	_ =	strace $0x90000047  }
0x194: {  	s0 =	stileid.u32;
	[bflag:$0x2] =	sbarrier.arrive $0xFFFF  }
0x195: {  	p0 =	sne.s32 s0, $0x0;
	s0 =	rddreg [dreg:$0x3]  }
0x196: {  	s0 =	sadd.s32 @!p0 $0x100000, s0  }
0x197: {  	[sflag:s0] =	ssyncadd.tile.s32 @!p0 $0x1;
	_ =	shalt  }
.Lfunc_end2:
_tile_overlayer_lowered:
.L_overlay_start_2:
0x198: {  	(tag) =	ssettag $0x2  }
0x199: {  	s0 =	rddreg [dreg:$0x0];
	s2 =	stileid.u32  }
0x19a: {  	s1 =	rddreg [dreg:$0x1];
	p0 =	sne.s32 s2, $0x0  }
0x19b: {  	s3 =	rddreg [dreg:$0x2];
	[bflag:$0x3] =	sbarrier.arrive $0xFFFF;
	s2 =	simm.s32 @!p0 $0x1C05  }
0x19c: {  	[timem:s3], [sflag:s2] =	dma.local @!p0 [hbm:s0], s1  }
0x19d: {  	s0 =	simm.s32 @!p0 $0x5  }
0x19e: {  	_ =	swait.ge @!p0 [sflag:s0], s1  }
0x19f: {  	s1 =	ssub.s32 @!p0 $0x0, s1;
	[sflag:s0] =	ssyncset.done @!p0 $0x0  }
0x1a0: {  	[sflag:s0] =	ssyncadd.s32 @!p0 s1  }
0x1a1: {  	[bflag:$0x3] =	sbarrier.arrive $0xFFFF  }
0x1a2: {  	_ =	shalt  }

</sc_bundles>
